<compile_context>
chip_gen: v7x
topology: tpu7x:2x2x1
jax: 0.10.2.dev20260603
libtpu: 0.0.44.dev20260713+nightly
codegen_flags: <defaults>
</compile_context>

<pallas_src>
import functools

import jax
import jax.numpy as jnp
from jax import lax
from jax.experimental import pallas as pl
from jax.experimental.pallas import tpu as pltpu
from jax.experimental.pallas import tpu_sc as plsc

N = 10000
E = 320000
D_NODE = 128
D_EDGE = 16
H = 64

NC = 2
NS = 16
LANES = 16
NW = NC * NS
CHUNK = 9984
TAIL = E - NW * CHUNK
TAIL_OFF = NW * CHUNK
UNROLL = 8
CH_G = 19968
TAIL_G = E - NS * CH_G
TAIL_G_OFF = NS * CH_G


def _degree_body(idx_hbm, out_hbm, flat_hbm, idx_v, idx_t, idx_r, idx_rt,
                 ones_v, zeros_v, shared):
    c = lax.axis_index("c")
    s = lax.axis_index("s")
    wid = s * NC + c
    base = wid * CHUNK
    last = wid == NW - 1
    pltpu.sync_copy(idx_hbm.at[:, pl.ds(base, CHUNK)], idx_v)

    @pl.when(last)
    def _copy_tail():
        pltpu.sync_copy(idx_hbm.at[:, pl.ds(TAIL_OFF, TAIL)], idx_t)

    zeros = jnp.zeros((LANES,), jnp.float32)
    ones = jnp.ones((LANES,), jnp.float32)

    @pl.when(s == 0)
    def _zero_shared():
        def zbody(i, carry):
            zeros_v[pl.ds(i * LANES, LANES)] = zeros
            return carry
        lax.fori_loop(0, N // LANES, zbody, 0)
        pltpu.sync_copy(zeros_v, shared)

    def fbody(i, carry):
        ones_v[pl.ds(i * LANES, LANES)] = ones
        return carry
    lax.fori_loop(0, CHUNK // LANES, fbody, 0)

    def make_extract(src, dst, r):
        def xbody(i, carry):
            for k in range(UNROLL):
                off = i * (LANES * UNROLL) + k * LANES
                dst[pl.ds(off, LANES)] = (
                    src[r, pl.ds(off, LANES)].reshape((LANES,)))
            return carry
        return xbody

    plsc.subcore_barrier()
    for r in range(2):
        lax.fori_loop(0, CHUNK // (LANES * UNROLL),
                      make_extract(idx_v, idx_r, r), 0)
        pltpu.sync_copy(idx_r, flat_hbm.at[pl.ds(r * E + base, CHUNK)])
        pltpu.sync_copy(ones_v, shared.at[idx_r], add=True)

    @pl.when(last)
    def _scatter_tail():
        for r in range(2):
            lax.fori_loop(0, TAIL // (LANES * UNROLL),
                          make_extract(idx_t, idx_rt, r), 0)
            pltpu.sync_copy(idx_rt,
                            flat_hbm.at[pl.ds(r * E + TAIL_OFF, TAIL)])
            pltpu.sync_copy(ones_v.at[pl.ds(0, TAIL)],
                            shared.at[idx_rt], add=True)

    plsc.subcore_barrier()

    @pl.when(s == 0)
    def _flush():
        pltpu.sync_copy(shared, out_hbm.at[c])


def _gather_body(table_hbm, idx_hbm, out_hbm, table_v, idx_v, out_v):
    c = lax.axis_index("c")
    s = lax.axis_index("s")
    wid = s * NC + c
    row = wid // NS
    t = wid % NS
    base = t * CH_G
    last = t == NS - 1
    pltpu.sync_copy(table_hbm, table_v)
    pltpu.sync_copy(idx_hbm.at[pl.ds(row * E + base, CH_G)],
                    idx_v.at[pl.ds(0, CH_G)])

    @pl.when(last)
    def _copy_tail():
        pltpu.sync_copy(idx_hbm.at[pl.ds(row * E + TAIL_G_OFF, TAIL_G)],
                        idx_v.at[pl.ds(CH_G, TAIL_G)])

    def body(i, carry):
        for k in range(UNROLL):
            off = i * (LANES * UNROLL) + k * LANES
            idx = idx_v[pl.ds(off, LANES)]
            out_v[pl.ds(off, LANES)] = plsc.load_gather(table_v, [idx])
        return carry

    lax.fori_loop(0, CH_G // (LANES * UNROLL), body, 0)

    @pl.when(last)
    def _gather_tail():
        lax.fori_loop(CH_G // (LANES * UNROLL),
                      (CH_G + TAIL_G) // (LANES * UNROLL), body, 0)

    pltpu.sync_copy(out_v.at[pl.ds(0, CH_G)],
                    out_hbm.at[row, pl.ds(base, CH_G)])

    @pl.when(last)
    def _flush_tail():
        pltpu.sync_copy(out_v.at[pl.ds(CH_G, TAIL_G)],
                        out_hbm.at[row, pl.ds(TAIL_G_OFF, TAIL_G)])


@functools.lru_cache(maxsize=None)
def _sc_kernels():
    mesh = plsc.VectorSubcoreMesh(core_axis_name="c", subcore_axis_name="s",
                                  num_cores=NC, num_subcores=NS)
    degree = pl.kernel(
        _degree_body,
        out_type=(jax.ShapeDtypeStruct((NC, N), jnp.float32),
                  jax.ShapeDtypeStruct((2 * E,), jnp.int32)),
        mesh=mesh,
        scratch_types=[
            pltpu.VMEM((2, CHUNK), jnp.int32),
            pltpu.VMEM((2, TAIL), jnp.int32),
            pltpu.VMEM((CHUNK,), jnp.int32),
            pltpu.VMEM((TAIL,), jnp.int32),
            pltpu.VMEM((CHUNK,), jnp.float32),
            pltpu.VMEM((N,), jnp.float32),
            pltpu.VMEM_SHARED((N,), jnp.float32),
        ],
    )
    gather = pl.kernel(
        _gather_body,
        out_type=jax.ShapeDtypeStruct((2, E), jnp.float32),
        mesh=mesh,
        scratch_types=[
            pltpu.VMEM((N,), jnp.float32),
            pltpu.VMEM((CH_G + TAIL_G,), jnp.int32),
            pltpu.VMEM((CH_G + TAIL_G,), jnp.float32),
        ],
        compiler_params=pltpu.CompilerParams(needs_layout_passes=False),
    )
    return degree, gather



def _gelu2(x):
    return x + x * lax.erf(x * 0.7071067811865476)


def _sigmoid(x):
    return 1.0 / (1.0 + jnp.exp(-x))


def _node_mlp_body(nf_ref, part_ref, tier_ref, w1_ref, wdeg_ref, wtier_ref,
                   b1_ref, w2_ref, b2_ref, w3_ref, b3_ref, out_ref):
    part = part_ref[...]
    deg = part[0:1, :] + part[1:2, :]
    deg = deg / (jnp.max(deg) + 1e-10)
    h = lax.dot_general(w1_ref[...].astype(jnp.bfloat16),
                        nf_ref[...].astype(jnp.bfloat16),
                        (((1,), (1,)), ((), ())),
                        preferred_element_type=jnp.float32)
    h = h + wdeg_ref[...] * deg
    h = h + wtier_ref[...] * (tier_ref[...] * 0.5)
    h = _gelu2((h + b1_ref[...]).astype(jnp.bfloat16))
    h2 = lax.dot_general(w2_ref[...].astype(jnp.bfloat16), h,
                         (((1,), (0,)), ((), ())),
                         preferred_element_type=jnp.float32)
    h2 = _gelu2((h2 + b2_ref[...]).astype(jnp.bfloat16))
    s = lax.dot_general(w3_ref[...].astype(jnp.bfloat16), h2,
                        (((1,), (0,)), ((), ())),
                        preferred_element_type=jnp.float32) + b3_ref[...]
    out_ref[...] = _sigmoid(s)


def _edge_mlp_body(ef_ref, imp_ref, w1_ref, wst_ref,
                   b1_ref, w2_ref, b2_ref, w3_ref, b3_ref, out_ref):
    x = jnp.concatenate([ef_ref[...], imp_ref[...].astype(jnp.bfloat16)],
                        axis=0)
    w1 = jnp.concatenate([w1_ref[...], wst_ref[...]], axis=1)
    h = lax.dot_general(w1.astype(jnp.bfloat16), x,
                        (((1,), (0,)), ((), ())),
                        preferred_element_type=jnp.float32)
    h = _gelu2((h + b1_ref[...]).astype(jnp.bfloat16))
    h2 = lax.dot_general(w2_ref[...].astype(jnp.bfloat16), h,
                         (((1,), (0,)), ((), ())),
                         preferred_element_type=jnp.float32)
    h2 = _gelu2((h2 + b2_ref[...]).astype(jnp.bfloat16))
    s = lax.dot_general(w3_ref[...].astype(jnp.bfloat16), h2,
                        (((1,), (0,)), ((), ())),
                        preferred_element_type=jnp.float32) + b3_ref[...]
    out_ref[...] = _sigmoid(s)[None]


EB = 12800
EBLOCKS = E // EB


def _full(shape):
    return pl.BlockSpec(shape, lambda i: (0,) * len(shape))


def kernel(node_features, edge_index, edge_features, node_tiers,
           nW1, nb1, nW2, nb2, nW3, nb3,
           eW1, eb1, eW2, eb2, eW3, eb3):
    degree_kernel, gather_kernel = _sc_kernels()
    partials, flat_idx = degree_kernel(edge_index)

    tier = node_tiers.astype(jnp.float32).reshape(1, N)
    node_row = pl.pallas_call(
        _node_mlp_body,
        out_shape=jax.ShapeDtypeStruct((1, N), jnp.float32),
    )(node_features, partials, tier,
      nW1[:, :D_NODE], nW1[:, D_NODE:D_NODE + 1], nW1[:, D_NODE + 1:],
      nb1.reshape(H, 1), nW2 * 0.5, nb2.reshape(H, 1),
      nW3 * 0.5, nb3.reshape(1, 1))

    table = node_row.reshape(N)
    imp = gather_kernel(table, flat_idx)

    ef_t = edge_features.T.astype(jnp.bfloat16)
    edge_rows = pl.pallas_call(
        _edge_mlp_body,
        out_shape=jax.ShapeDtypeStruct((EBLOCKS, 1, EB), jnp.float32),
        grid=(EBLOCKS,),
        in_specs=[
            pl.BlockSpec((D_EDGE, EB), lambda i: (0, i)),
            pl.BlockSpec((2, EB), lambda i: (0, i)),
            _full((H, D_EDGE)), _full((H, 2)),
            _full((H, 1)), _full((H, H)), _full((H, 1)),
            _full((1, H)), _full((1, 1)),
        ],
        out_specs=pl.BlockSpec((1, 1, EB), lambda i: (i, 0, 0)),
        compiler_params=pltpu.CompilerParams(
            dimension_semantics=("arbitrary",)),
    )(ef_t, imp,
      eW1[:, :D_EDGE], eW1[:, D_EDGE:],
      eb1.reshape(H, 1), eW2 * 0.5, eb2.reshape(H, 1),
      eW3 * 0.5, eb3.reshape(1, 1))

    return table, edge_rows.reshape(E)

# --- scband reference (transcript-rebuilt; emitter-appended) ---
"""Pipeline reference for scband-importance-router-75617194213661 (READ-ONLY COPY).

The authoritative reference and input builder live on the scoring server;
editing this copy changes nothing except your own understanding.
"""

import jax, jax.numpy as jnp
import numpy as np

N = 10000
E = 320000
D_NODE = 128
D_EDGE = 16
H = 64


def _lin(k, fout, fin):
    k1, k2 = jax.random.split(k)
    lim = 1.0 / np.sqrt(fin)
    W = jax.random.uniform(k1, (fout, fin), minval=-lim, maxval=lim, dtype=jnp.float32)
    b = jax.random.uniform(k2, (fout,), minval=-lim, maxval=lim, dtype=jnp.float32)
    return W, b


def setup_inputs(seed: int = 0) -> dict:
    key = jax.random.key(seed)
    ks = jax.random.split(key, 10)
    node_features = jax.random.normal(ks[0], (N, D_NODE), dtype=jnp.float32)
    edge_index = jax.random.randint(ks[1], (2, E), 0, N, dtype=jnp.int32)
    edge_features = jax.random.normal(ks[2], (E, D_EDGE), dtype=jnp.float32)
    node_tiers = jax.random.randint(ks[3], (N,), 0, 3, dtype=jnp.int32)
    nW1, nb1 = _lin(ks[4], H, D_NODE + 2)
    nW2, nb2 = _lin(ks[5], H, H)
    nW3, nb3 = _lin(ks[6], 1, H)
    eW1, eb1 = _lin(ks[7], H, D_EDGE + 2)
    eW2, eb2 = _lin(ks[8], H, H)
    eW3, eb3 = _lin(ks[9], 1, H)
    return {"node_features": node_features, "edge_index": edge_index,
            "edge_features": edge_features, "node_tiers": node_tiers,
            "nW1": nW1, "nb1": nb1, "nW2": nW2, "nb2": nb2, "nW3": nW3, "nb3": nb3,
            "eW1": eW1, "eb1": eb1, "eW2": eW2, "eb2": eb2, "eW3": eW3, "eb3": eb3}


def _mlp(x, W1, b1, W2, b2, W3, b3):
    x = jax.nn.gelu(x @ W1.T + b1, approximate=False)
    x = jax.nn.gelu(x @ W2.T + b2, approximate=False)
    return x @ W3.T + b3


def reference(node_features, edge_index, edge_features, node_tiers,
              nW1, nb1, nW2, nb2, nW3, nb3,
              eW1, eb1, eW2, eb2, eW3, eb3):
    n = node_features.shape[0]
    src = edge_index[0]
    dst = edge_index[1]
    ones = jnp.ones(edge_index.shape[1], dtype=jnp.float32)
    degree = jnp.zeros(n, dtype=jnp.float32).at[src].add(ones).at[dst].add(ones)
    degree = degree / (degree.max() + 1e-10)
    tier_normalized = node_tiers.astype(jnp.float32) / 2.0
    node_input = jnp.concatenate([node_features, degree[:, None], tier_normalized[:, None]], axis=-1)
    node_scores = jax.nn.sigmoid(_mlp(node_input, nW1, nb1, nW2, nb2, nW3, nb3)[:, 0])
    src_importance = node_scores[src]
    tgt_importance = node_scores[dst]
    edge_input = jnp.concatenate([edge_features, src_importance[:, None], tgt_importance[:, None]], axis=-1)
    edge_scores = jax.nn.sigmoid(_mlp(edge_input, eW1, eb1, eW2, eb2, eW3, eb3)[:, 0])
    return (node_scores, edge_scores)

if __name__ == "__main__":
    import jax
    _d = setup_inputs()
    print(jax.jit(kernel)(*tuple(_d.values())))

</pallas_src>

<mosaic_0001>
#map = affine_map<(d0, d1) -> (0)>
#map1 = affine_map<(d0, d1) -> (0, 0)>
module attributes {stable_mosaic.version = 14 : i64} {
  func.func @_gather_body(%arg0: i32, %arg1: i32, %arg2: memref<10000xf32, #tpu.memory_space<hbm>>, %arg3: memref<640000xi32, #tpu.memory_space<hbm>>, %arg4: memref<2x320000xf32, #tpu.memory_space<hbm>>, %arg5: memref<10000xf32, #tpu.memory_space<vmem>>, %arg6: memref<20480xi32, #tpu.memory_space<vmem>>, %arg7: memref<20480xf32, #tpu.memory_space<vmem>>) attributes {dimension_semantics = [#tpu.dimension_semantics<core_parallel>, #tpu.dimension_semantics<subcore_parallel>], iteration_bounds = array<i64: 2, 16>, scalar_prefetch = 0 : i64, scratch_operands = 3 : i64, tpu.core_type = #tpu.core_type<sc_vector_subcore>, window_params = [{transform_indices = #map}, {transform_indices = #map}, {transform_indices = #map1}]} {
    %mul3A = arith.constant 2 : i32
    %mul3A_0 = arith.muli %arg1, %mul3A : i32
    %add3A = arith.addi %mul3A_0, %arg0 : i32
    %jit3A = arith.constant 16 : i32
    %div3A = arith.divsi %add3A, %jit3A : i32
    %sign3A = arith.constant 0 : i32
    %sign3A_1 = arith.cmpi sgt, %add3A, %sign3A : i32
    %sign3A_2 = arith.extui %sign3A_1 : i1 to i32
    %sign3A_3 = arith.constant 0 : i32
    %sign3A_4 = arith.cmpi slt, %add3A, %sign3A_3 : i32
    %sign3A_5 = arith.extui %sign3A_4 : i1 to i32
    %sign3A_6 = arith.subi %sign3A_2, %sign3A_5 : i32
    %sign3A_7 = arith.constant 0 : i32
    %sign3A_8 = arith.cmpi sgt, %jit3A, %sign3A_7 : i32
    %sign3A_9 = arith.extui %sign3A_8 : i1 to i32
    %sign3A_10 = arith.constant 0 : i32
    %sign3A_11 = arith.cmpi slt, %jit3A, %sign3A_10 : i32
    %sign3A_12 = arith.extui %sign3A_11 : i1 to i32
    %sign3A_13 = arith.subi %sign3A_9, %sign3A_12 : i32
    %ne3A = arith.cmpi ne, %sign3A_6, %sign3A_13 : i32
    %rem3A = arith.remsi %add3A, %jit3A : i32
    %ne3A_14 = arith.constant 0 : i32
    %ne3A_15 = arith.cmpi ne, %rem3A, %ne3A_14 : i32
    %and3A = arith.andi %ne3A, %ne3A_15 : i1
    %sub3A = arith.constant 1 : i32
    %sub3A_16 = arith.subi %div3A, %sub3A : i32
    %select_n3A = arith.select %and3A, %sub3A_16, %div3A : i32
    %jit3A_17 = arith.constant 16 : i32
    %eq3A = arith.constant 0 : i32
    %eq3A_18 = arith.cmpi eq, %jit3A_17, %eq3A : i32
    %jit3A_19 = arith.constant 1 : i32
    %select_n3A_20 = arith.select %eq3A_18, %jit3A_19, %jit3A_17 : i32
    %rem3A_21 = arith.remsi %add3A, %select_n3A_20 : i32
    %ne3A_22 = arith.constant 0 : i32
    %ne3A_23 = arith.cmpi ne, %rem3A_21, %ne3A_22 : i32
    %lt3A = arith.constant 0 : i32
    %lt3A_24 = arith.cmpi slt, %rem3A_21, %lt3A : i32
    %lt3A_25 = arith.constant 0 : i32
    %lt3A_26 = arith.cmpi slt, %select_n3A_20, %lt3A_25 : i32
    %ne3A_27 = arith.xori %lt3A_24, %lt3A_26 : i1
    %and3A_28 = arith.andi %ne3A_27, %ne3A_23 : i1
    %add3A_29 = arith.addi %rem3A_21, %select_n3A_20 : i32
    %select_n3A_30 = arith.select %and3A_28, %add3A_29, %rem3A_21 : i32
    %mul3A_31 = arith.constant 19968 : i32
    %mul3A_32 = arith.muli %select_n3A_30, %mul3A_31 : i32
    %eq3A_33 = arith.constant 15 : i32
    %eq3A_34 = arith.cmpi eq, %select_n3A_30, %eq3A_33 : i32
    "tpu.region"() ({
      %run_scoped3A = tpu.sem_alloc : memref<!tpu.dma_semaphore, #tpu.memory_space<semaphore_mem>>
      tpu.enqueue_dma source(%arg2 : memref<10000xf32, #tpu.memory_space<hbm>>) target(%arg5 : memref<10000xf32, #tpu.memory_space<vmem>>) target_semaphore(%run_scoped3A : memref<!tpu.dma_semaphore, #tpu.memory_space<semaphore_mem>>)
      tpu.wait_dma2 semaphore(%run_scoped3A : memref<!tpu.dma_semaphore, #tpu.memory_space<semaphore_mem>>) src(%arg2 : memref<10000xf32, #tpu.memory_space<hbm>>) dst(%arg5 : memref<10000xf32, #tpu.memory_space<vmem>>)
      tpu.yield
    }) : () -> ()
    %mul3A_35 = arith.constant 320000 : i32
    %mul3A_36 = arith.muli %select_n3A, %mul3A_35 : i32
    %add3A_37 = arith.addi %mul3A_36, %mul3A_32 : i32
    "tpu.region"() ({
      %run_scoped3A = tpu.sem_alloc : memref<!tpu.dma_semaphore, #tpu.memory_space<semaphore_mem>>
      %dma_start3A = arith.constant 0 : i32
      %dma_start3A_50 = tpu.memref_slice %arg6[%dma_start3A] : memref<20480xi32, #tpu.memory_space<vmem>> -> memref<19968xi32, #tpu.memory_space<vmem>>
      %dma_start3A_51 = tpu.memref_slice %arg3[%add3A_37] : memref<640000xi32, #tpu.memory_space<hbm>> -> memref<19968xi32, #tpu.memory_space<hbm>>
      %dma_start3A_52 = arith.constant 0 : i32
      %dma_start3A_53 = tpu.memref_slice %arg6[%dma_start3A_52] : memref<20480xi32, #tpu.memory_space<vmem>> -> memref<19968xi32, #tpu.memory_space<vmem>>
      %dma_start3A_54 = tpu.memref_slice %arg3[%add3A_37] : memref<640000xi32, #tpu.memory_space<hbm>> -> memref<19968xi32, #tpu.memory_space<hbm>>
      tpu.enqueue_dma source(%dma_start3A_54 : memref<19968xi32, #tpu.memory_space<hbm>>) target(%dma_start3A_53 : memref<19968xi32, #tpu.memory_space<vmem>>) target_semaphore(%run_scoped3A : memref<!tpu.dma_semaphore, #tpu.memory_space<semaphore_mem>>)
      %dma_wait3A = arith.constant 0 : i32
      %dma_wait3A_55 = tpu.memref_slice %arg6[%dma_wait3A] : memref<20480xi32, #tpu.memory_space<vmem>> -> memref<19968xi32, #tpu.memory_space<vmem>>
      %dma_wait3A_56 = tpu.memref_slice %arg3[%add3A_37] : memref<640000xi32, #tpu.memory_space<hbm>> -> memref<19968xi32, #tpu.memory_space<hbm>>
      %dma_wait3A_57 = arith.constant 0 : i32
      %dma_wait3A_58 = tpu.memref_slice %arg6[%dma_wait3A_57] : memref<20480xi32, #tpu.memory_space<vmem>> -> memref<19968xi32, #tpu.memory_space<vmem>>
      %dma_wait3A_59 = tpu.memref_slice %arg3[%add3A_37] : memref<640000xi32, #tpu.memory_space<hbm>> -> memref<19968xi32, #tpu.memory_space<hbm>>
      tpu.wait_dma2 semaphore(%run_scoped3A : memref<!tpu.dma_semaphore, #tpu.memory_space<semaphore_mem>>) src(%dma_wait3A_59 : memref<19968xi32, #tpu.memory_space<hbm>>) dst(%dma_wait3A_58 : memref<19968xi32, #tpu.memory_space<vmem>>)
      tpu.yield
    }) : () -> ()
    %convert_element_type3A = arith.extui %eq3A_34 : i1 to i32
    %cond3A = arith.constant 0 : i32
    %cond3A_38 = arith.cmpi ne, %convert_element_type3A, %cond3A : i32
    scf.if %cond3A_38 {
      %mul3A_50 = arith.constant 320000 : i32
      %mul3A_51 = arith.muli %select_n3A, %mul3A_50 : i32
      %add3A_52 = arith.constant 319488 : i32
      %add3A_53 = arith.addi %mul3A_51, %add3A_52 : i32
      "tpu.region"() ({
        %run_scoped3A = tpu.sem_alloc : memref<!tpu.dma_semaphore, #tpu.memory_space<semaphore_mem>>
        %dma_start3A = arith.constant 19968 : i32
        %dma_start3A_54 = tpu.memref_slice %arg6[%dma_start3A] : memref<20480xi32, #tpu.memory_space<vmem>> -> memref<512xi32, #tpu.memory_space<vmem>>
        %dma_start3A_55 = tpu.memref_slice %arg3[%add3A_53] : memref<640000xi32, #tpu.memory_space<hbm>> -> memref<512xi32, #tpu.memory_space<hbm>>
        %dma_start3A_56 = arith.constant 19968 : i32
        %dma_start3A_57 = tpu.memref_slice %arg6[%dma_start3A_56] : memref<20480xi32, #tpu.memory_space<vmem>> -> memref<512xi32, #tpu.memory_space<vmem>>
        %dma_start3A_58 = tpu.memref_slice %arg3[%add3A_53] : memref<640000xi32, #tpu.memory_space<hbm>> -> memref<512xi32, #tpu.memory_space<hbm>>
        tpu.enqueue_dma source(%dma_start3A_58 : memref<512xi32, #tpu.memory_space<hbm>>) target(%dma_start3A_57 : memref<512xi32, #tpu.memory_space<vmem>>) target_semaphore(%run_scoped3A : memref<!tpu.dma_semaphore, #tpu.memory_space<semaphore_mem>>)
        %dma_wait3A = arith.constant 19968 : i32
        %dma_wait3A_59 = tpu.memref_slice %arg6[%dma_wait3A] : memref<20480xi32, #tpu.memory_space<vmem>> -> memref<512xi32, #tpu.memory_space<vmem>>
        %dma_wait3A_60 = tpu.memref_slice %arg3[%add3A_53] : memref<640000xi32, #tpu.memory_space<hbm>> -> memref<512xi32, #tpu.memory_space<hbm>>
        %dma_wait3A_61 = arith.constant 19968 : i32
        %dma_wait3A_62 = tpu.memref_slice %arg6[%dma_wait3A_61] : memref<20480xi32, #tpu.memory_space<vmem>> -> memref<512xi32, #tpu.memory_space<vmem>>
        %dma_wait3A_63 = tpu.memref_slice %arg3[%add3A_53] : memref<640000xi32, #tpu.memory_space<hbm>> -> memref<512xi32, #tpu.memory_space<hbm>>
        tpu.wait_dma2 semaphore(%run_scoped3A : memref<!tpu.dma_semaphore, #tpu.memory_space<semaphore_mem>>) src(%dma_wait3A_63 : memref<512xi32, #tpu.memory_space<hbm>>) dst(%dma_wait3A_62 : memref<512xi32, #tpu.memory_space<vmem>>)
        tpu.yield
      }) : () -> ()
    } else {
    }
    %scan3A = arith.constant 0 : i32
    %scan3A_39 = arith.constant 0 : i32
    %scan3A_40 = arith.constant 156 : i32
    %scan3A_41 = arith.addi %scan3A_39, %scan3A_40 : i32
    %scan3A_42 = arith.constant 1 : i32
    scf.for %scan3A_50 = %scan3A_39 to %scan3A_41 step %scan3A_42  : i32 {
      %mul3A_51 = arith.constant 128 : i32
      %mul3A_52 = arith.muli %scan3A_50, %mul3A_51 : i32
      %add3A_53 = arith.constant 0 : i32
      %add3A_54 = arith.addi %mul3A_52, %add3A_53 : i32
      %get3A = arith.index_cast %add3A_54 : i32 to index
      %get3A_55 = tpu.vector_load %arg6[%get3A] {strides = array<i32>} : memref<20480xi32, #tpu.memory_space<vmem>>, vector<16xi32>,
      %gather3A = tpu.vector_load_idx %arg5[%get3A_55] : memref<10000xf32, #tpu.memory_space<vmem>>[vector<16xi32>], vector<16xf32>,
      %swap3A = arith.index_cast %add3A_54 : i32 to index
      %swap3A_56 = tpu.vector_load %arg7[%swap3A] {strides = array<i32>} : memref<20480xf32, #tpu.memory_space<vmem>>, vector<16xf32>,
      tpu.vector_store %arg7[%swap3A], %gather3A {strides = array<i32>} : memref<20480xf32, #tpu.memory_space<vmem>>, vector<16xf32>,
      %mul3A_57 = arith.constant 128 : i32
      %mul3A_58 = arith.muli %scan3A_50, %mul3A_57 : i32
      %add3A_59 = arith.constant 16 : i32
      %add3A_60 = arith.addi %mul3A_58, %add3A_59 : i32
      %get3A_61 = arith.index_cast %add3A_60 : i32 to index
      %get3A_62 = tpu.vector_load %arg6[%get3A_61] {strides = array<i32>} : memref<20480xi32, #tpu.memory_space<vmem>>, vector<16xi32>,
      %gather3A_63 = tpu.vector_load_idx %arg5[%get3A_62] : memref<10000xf32, #tpu.memory_space<vmem>>[vector<16xi32>], vector<16xf32>,
      %swap3A_64 = arith.index_cast %add3A_60 : i32 to index
      %swap3A_65 = tpu.vector_load %arg7[%swap3A_64] {strides = array<i32>} : memref<20480xf32, #tpu.memory_space<vmem>>, vector<16xf32>,
      tpu.vector_store %arg7[%swap3A_64], %gather3A_63 {strides = array<i32>} : memref<20480xf32, #tpu.memory_space<vmem>>, vector<16xf32>,
      %mul3A_66 = arith.constant 128 : i32
      %mul3A_67 = arith.muli %scan3A_50, %mul3A_66 : i32
      %add3A_68 = arith.constant 32 : i32
      %add3A_69 = arith.addi %mul3A_67, %add3A_68 : i32
      %get3A_70 = arith.index_cast %add3A_69 : i32 to index
      %get3A_71 = tpu.vector_load %arg6[%get3A_70] {strides = array<i32>} : memref<20480xi32, #tpu.memory_space<vmem>>, vector<16xi32>,
      %gather3A_72 = tpu.vector_load_idx %arg5[%get3A_71] : memref<10000xf32, #tpu.memory_space<vmem>>[vector<16xi32>], vector<16xf32>,
      %swap3A_73 = arith.index_cast %add3A_69 : i32 to index
      %swap3A_74 = tpu.vector_load %arg7[%swap3A_73] {strides = array<i32>} : memref<20480xf32, #tpu.memory_space<vmem>>, vector<16xf32>,
      tpu.vector_store %arg7[%swap3A_73], %gather3A_72 {strides = array<i32>} : memref<20480xf32, #tpu.memory_space<vmem>>, vector<16xf32>,
      %mul3A_75 = arith.constant 128 : i32
      %mul3A_76 = arith.muli %scan3A_50, %mul3A_75 : i32
      %add3A_77 = arith.constant 48 : i32
      %add3A_78 = arith.addi %mul3A_76, %add3A_77 : i32
      %get3A_79 = arith.index_cast %add3A_78 : i32 to index
      %get3A_80 = tpu.vector_load %arg6[%get3A_79] {strides = array<i32>} : memref<20480xi32, #tpu.memory_space<vmem>>, vector<16xi32>,
      %gather3A_81 = tpu.vector_load_idx %arg5[%get3A_80] : memref<10000xf32, #tpu.memory_space<vmem>>[vector<16xi32>], vector<16xf32>,
      %swap3A_82 = arith.index_cast %add3A_78 : i32 to index
      %swap3A_83 = tpu.vector_load %arg7[%swap3A_82] {strides = array<i32>} : memref<20480xf32, #tpu.memory_space<vmem>>, vector<16xf32>,
      tpu.vector_store %arg7[%swap3A_82], %gather3A_81 {strides = array<i32>} : memref<20480xf32, #tpu.memory_space<vmem>>, vector<16xf32>,
      %mul3A_84 = arith.constant 128 : i32
      %mul3A_85 = arith.muli %scan3A_50, %mul3A_84 : i32
      %add3A_86 = arith.constant 64 : i32
      %add3A_87 = arith.addi %mul3A_85, %add3A_86 : i32
      %get3A_88 = arith.index_cast %add3A_87 : i32 to index
      %get3A_89 = tpu.vector_load %arg6[%get3A_88] {strides = array<i32>} : memref<20480xi32, #tpu.memory_space<vmem>>, vector<16xi32>,
      %gather3A_90 = tpu.vector_load_idx %arg5[%get3A_89] : memref<10000xf32, #tpu.memory_space<vmem>>[vector<16xi32>], vector<16xf32>,
      %swap3A_91 = arith.index_cast %add3A_87 : i32 to index
      %swap3A_92 = tpu.vector_load %arg7[%swap3A_91] {strides = array<i32>} : memref<20480xf32, #tpu.memory_space<vmem>>, vector<16xf32>,
      tpu.vector_store %arg7[%swap3A_91], %gather3A_90 {strides = array<i32>} : memref<20480xf32, #tpu.memory_space<vmem>>, vector<16xf32>,
      %mul3A_93 = arith.constant 128 : i32
      %mul3A_94 = arith.muli %scan3A_50, %mul3A_93 : i32
      %add3A_95 = arith.constant 80 : i32
      %add3A_96 = arith.addi %mul3A_94, %add3A_95 : i32
      %get3A_97 = arith.index_cast %add3A_96 : i32 to index
      %get3A_98 = tpu.vector_load %arg6[%get3A_97] {strides = array<i32>} : memref<20480xi32, #tpu.memory_space<vmem>>, vector<16xi32>,
      %gather3A_99 = tpu.vector_load_idx %arg5[%get3A_98] : memref<10000xf32, #tpu.memory_space<vmem>>[vector<16xi32>], vector<16xf32>,
      %swap3A_100 = arith.index_cast %add3A_96 : i32 to index
      %swap3A_101 = tpu.vector_load %arg7[%swap3A_100] {strides = array<i32>} : memref<20480xf32, #tpu.memory_space<vmem>>, vector<16xf32>,
      tpu.vector_store %arg7[%swap3A_100], %gather3A_99 {strides = array<i32>} : memref<20480xf32, #tpu.memory_space<vmem>>, vector<16xf32>,
      %mul3A_102 = arith.constant 128 : i32
      %mul3A_103 = arith.muli %scan3A_50, %mul3A_102 : i32
      %add3A_104 = arith.constant 96 : i32
      %add3A_105 = arith.addi %mul3A_103, %add3A_104 : i32
      %get3A_106 = arith.index_cast %add3A_105 : i32 to index
      %get3A_107 = tpu.vector_load %arg6[%get3A_106] {strides = array<i32>} : memref<20480xi32, #tpu.memory_space<vmem>>, vector<16xi32>,
      %gather3A_108 = tpu.vector_load_idx %arg5[%get3A_107] : memref<10000xf32, #tpu.memory_space<vmem>>[vector<16xi32>], vector<16xf32>,
      %swap3A_109 = arith.index_cast %add3A_105 : i32 to index
      %swap3A_110 = tpu.vector_load %arg7[%swap3A_109] {strides = array<i32>} : memref<20480xf32, #tpu.memory_space<vmem>>, vector<16xf32>,
      tpu.vector_store %arg7[%swap3A_109], %gather3A_108 {strides = array<i32>} : memref<20480xf32, #tpu.memory_space<vmem>>, vector<16xf32>,
      %mul3A_111 = arith.constant 128 : i32
      %mul3A_112 = arith.muli %scan3A_50, %mul3A_111 : i32
      %add3A_113 = arith.constant 112 : i32
      %add3A_114 = arith.addi %mul3A_112, %add3A_113 : i32
      %get3A_115 = arith.index_cast %add3A_114 : i32 to index
      %get3A_116 = tpu.vector_load %arg6[%get3A_115] {strides = array<i32>} : memref<20480xi32, #tpu.memory_space<vmem>>, vector<16xi32>,
      %gather3A_117 = tpu.vector_load_idx %arg5[%get3A_116] : memref<10000xf32, #tpu.memory_space<vmem>>[vector<16xi32>], vector<16xf32>,
      %swap3A_118 = arith.index_cast %add3A_114 : i32 to index
      %swap3A_119 = tpu.vector_load %arg7[%swap3A_118] {strides = array<i32>} : memref<20480xf32, #tpu.memory_space<vmem>>, vector<16xf32>,
      tpu.vector_store %arg7[%swap3A_118], %gather3A_117 {strides = array<i32>} : memref<20480xf32, #tpu.memory_space<vmem>>, vector<16xf32>,
    }
    %scan3A_43 = arith.constant 156 : i32
    %convert_element_type3A_44 = arith.extui %eq3A_34 : i1 to i32
    %cond3A_45 = arith.constant 0 : i32
    %cond3A_46 = arith.cmpi ne, %convert_element_type3A_44, %cond3A_45 : i32
    scf.if %cond3A_46 {
      %scan3A_50 = arith.constant 0 : i32
      %scan3A_51 = arith.constant 156 : i32
      %scan3A_52 = arith.constant 4 : i32
      %scan3A_53 = arith.addi %scan3A_51, %scan3A_52 : i32
      %scan3A_54 = arith.constant 1 : i32
      scf.for %scan3A_56 = %scan3A_51 to %scan3A_53 step %scan3A_54  : i32 {
        %mul3A_57 = arith.constant 128 : i32
        %mul3A_58 = arith.muli %scan3A_56, %mul3A_57 : i32
        %add3A_59 = arith.constant 0 : i32
        %add3A_60 = arith.addi %mul3A_58, %add3A_59 : i32
        %get3A = arith.index_cast %add3A_60 : i32 to index
        %get3A_61 = tpu.vector_load %arg6[%get3A] {strides = array<i32>} : memref<20480xi32, #tpu.memory_space<vmem>>, vector<16xi32>,
        %gather3A = tpu.vector_load_idx %arg5[%get3A_61] : memref<10000xf32, #tpu.memory_space<vmem>>[vector<16xi32>], vector<16xf32>,
        %swap3A = arith.index_cast %add3A_60 : i32 to index
        %swap3A_62 = tpu.vector_load %arg7[%swap3A] {strides = array<i32>} : memref<20480xf32, #tpu.memory_space<vmem>>, vector<16xf32>,
        tpu.vector_store %arg7[%swap3A], %gather3A {strides = array<i32>} : memref<20480xf32, #tpu.memory_space<vmem>>, vector<16xf32>,
        %mul3A_63 = arith.constant 128 : i32
        %mul3A_64 = arith.muli %scan3A_56, %mul3A_63 : i32
        %add3A_65 = arith.constant 16 : i32
        %add3A_66 = arith.addi %mul3A_64, %add3A_65 : i32
        %get3A_67 = arith.index_cast %add3A_66 : i32 to index
        %get3A_68 = tpu.vector_load %arg6[%get3A_67] {strides = array<i32>} : memref<20480xi32, #tpu.memory_space<vmem>>, vector<16xi32>,
        %gather3A_69 = tpu.vector_load_idx %arg5[%get3A_68] : memref<10000xf32, #tpu.memory_space<vmem>>[vector<16xi32>], vector<16xf32>,
        %swap3A_70 = arith.index_cast %add3A_66 : i32 to index
        %swap3A_71 = tpu.vector_load %arg7[%swap3A_70] {strides = array<i32>} : memref<20480xf32, #tpu.memory_space<vmem>>, vector<16xf32>,
        tpu.vector_store %arg7[%swap3A_70], %gather3A_69 {strides = array<i32>} : memref<20480xf32, #tpu.memory_space<vmem>>, vector<16xf32>,
        %mul3A_72 = arith.constant 128 : i32
        %mul3A_73 = arith.muli %scan3A_56, %mul3A_72 : i32
        %add3A_74 = arith.constant 32 : i32
        %add3A_75 = arith.addi %mul3A_73, %add3A_74 : i32
        %get3A_76 = arith.index_cast %add3A_75 : i32 to index
        %get3A_77 = tpu.vector_load %arg6[%get3A_76] {strides = array<i32>} : memref<20480xi32, #tpu.memory_space<vmem>>, vector<16xi32>,
        %gather3A_78 = tpu.vector_load_idx %arg5[%get3A_77] : memref<10000xf32, #tpu.memory_space<vmem>>[vector<16xi32>], vector<16xf32>,
        %swap3A_79 = arith.index_cast %add3A_75 : i32 to index
        %swap3A_80 = tpu.vector_load %arg7[%swap3A_79] {strides = array<i32>} : memref<20480xf32, #tpu.memory_space<vmem>>, vector<16xf32>,
        tpu.vector_store %arg7[%swap3A_79], %gather3A_78 {strides = array<i32>} : memref<20480xf32, #tpu.memory_space<vmem>>, vector<16xf32>,
        %mul3A_81 = arith.constant 128 : i32
        %mul3A_82 = arith.muli %scan3A_56, %mul3A_81 : i32
        %add3A_83 = arith.constant 48 : i32
        %add3A_84 = arith.addi %mul3A_82, %add3A_83 : i32
        %get3A_85 = arith.index_cast %add3A_84 : i32 to index
        %get3A_86 = tpu.vector_load %arg6[%get3A_85] {strides = array<i32>} : memref<20480xi32, #tpu.memory_space<vmem>>, vector<16xi32>,
        %gather3A_87 = tpu.vector_load_idx %arg5[%get3A_86] : memref<10000xf32, #tpu.memory_space<vmem>>[vector<16xi32>], vector<16xf32>,
        %swap3A_88 = arith.index_cast %add3A_84 : i32 to index
        %swap3A_89 = tpu.vector_load %arg7[%swap3A_88] {strides = array<i32>} : memref<20480xf32, #tpu.memory_space<vmem>>, vector<16xf32>,
        tpu.vector_store %arg7[%swap3A_88], %gather3A_87 {strides = array<i32>} : memref<20480xf32, #tpu.memory_space<vmem>>, vector<16xf32>,
        %mul3A_90 = arith.constant 128 : i32
        %mul3A_91 = arith.muli %scan3A_56, %mul3A_90 : i32
        %add3A_92 = arith.constant 64 : i32
        %add3A_93 = arith.addi %mul3A_91, %add3A_92 : i32
        %get3A_94 = arith.index_cast %add3A_93 : i32 to index
        %get3A_95 = tpu.vector_load %arg6[%get3A_94] {strides = array<i32>} : memref<20480xi32, #tpu.memory_space<vmem>>, vector<16xi32>,
        %gather3A_96 = tpu.vector_load_idx %arg5[%get3A_95] : memref<10000xf32, #tpu.memory_space<vmem>>[vector<16xi32>], vector<16xf32>,
        %swap3A_97 = arith.index_cast %add3A_93 : i32 to index
        %swap3A_98 = tpu.vector_load %arg7[%swap3A_97] {strides = array<i32>} : memref<20480xf32, #tpu.memory_space<vmem>>, vector<16xf32>,
        tpu.vector_store %arg7[%swap3A_97], %gather3A_96 {strides = array<i32>} : memref<20480xf32, #tpu.memory_space<vmem>>, vector<16xf32>,
        %mul3A_99 = arith.constant 128 : i32
        %mul3A_100 = arith.muli %scan3A_56, %mul3A_99 : i32
        %add3A_101 = arith.constant 80 : i32
        %add3A_102 = arith.addi %mul3A_100, %add3A_101 : i32
        %get3A_103 = arith.index_cast %add3A_102 : i32 to index
        %get3A_104 = tpu.vector_load %arg6[%get3A_103] {strides = array<i32>} : memref<20480xi32, #tpu.memory_space<vmem>>, vector<16xi32>,
        %gather3A_105 = tpu.vector_load_idx %arg5[%get3A_104] : memref<10000xf32, #tpu.memory_space<vmem>>[vector<16xi32>], vector<16xf32>,
        %swap3A_106 = arith.index_cast %add3A_102 : i32 to index
        %swap3A_107 = tpu.vector_load %arg7[%swap3A_106] {strides = array<i32>} : memref<20480xf32, #tpu.memory_space<vmem>>, vector<16xf32>,
        tpu.vector_store %arg7[%swap3A_106], %gather3A_105 {strides = array<i32>} : memref<20480xf32, #tpu.memory_space<vmem>>, vector<16xf32>,
        %mul3A_108 = arith.constant 128 : i32
        %mul3A_109 = arith.muli %scan3A_56, %mul3A_108 : i32
        %add3A_110 = arith.constant 96 : i32
        %add3A_111 = arith.addi %mul3A_109, %add3A_110 : i32
        %get3A_112 = arith.index_cast %add3A_111 : i32 to index
        %get3A_113 = tpu.vector_load %arg6[%get3A_112] {strides = array<i32>} : memref<20480xi32, #tpu.memory_space<vmem>>, vector<16xi32>,
        %gather3A_114 = tpu.vector_load_idx %arg5[%get3A_113] : memref<10000xf32, #tpu.memory_space<vmem>>[vector<16xi32>], vector<16xf32>,
        %swap3A_115 = arith.index_cast %add3A_111 : i32 to index
        %swap3A_116 = tpu.vector_load %arg7[%swap3A_115] {strides = array<i32>} : memref<20480xf32, #tpu.memory_space<vmem>>, vector<16xf32>,
        tpu.vector_store %arg7[%swap3A_115], %gather3A_114 {strides = array<i32>} : memref<20480xf32, #tpu.memory_space<vmem>>, vector<16xf32>,
        %mul3A_117 = arith.constant 128 : i32
        %mul3A_118 = arith.muli %scan3A_56, %mul3A_117 : i32
        %add3A_119 = arith.constant 112 : i32
        %add3A_120 = arith.addi %mul3A_118, %add3A_119 : i32
        %get3A_121 = arith.index_cast %add3A_120 : i32 to index
        %get3A_122 = tpu.vector_load %arg6[%get3A_121] {strides = array<i32>} : memref<20480xi32, #tpu.memory_space<vmem>>, vector<16xi32>,
        %gather3A_123 = tpu.vector_load_idx %arg5[%get3A_122] : memref<10000xf32, #tpu.memory_space<vmem>>[vector<16xi32>], vector<16xf32>,
        %swap3A_124 = arith.index_cast %add3A_120 : i32 to index
        %swap3A_125 = tpu.vector_load %arg7[%swap3A_124] {strides = array<i32>} : memref<20480xf32, #tpu.memory_space<vmem>>, vector<16xf32>,
        tpu.vector_store %arg7[%swap3A_124], %gather3A_123 {strides = array<i32>} : memref<20480xf32, #tpu.memory_space<vmem>>, vector<16xf32>,
      }
      %scan3A_55 = arith.constant 4 : i32
    } else {
    }
    "tpu.region"() ({
      %run_scoped3A = tpu.sem_alloc : memref<!tpu.dma_semaphore, #tpu.memory_space<semaphore_mem>>
      %dma_start3A = arith.constant 0 : i32
      %dma_start3A_50 = tpu.memref_slice %arg7[%dma_start3A] : memref<20480xf32, #tpu.memory_space<vmem>> -> memref<19968xf32, #tpu.memory_space<vmem>>
      %dma_start3A_51 = tpu.memref_slice %arg4[%select_n3A, %mul3A_32] : memref<2x320000xf32, #tpu.memory_space<hbm>> -> memref<1x19968xf32, #tpu.memory_space<hbm>>
      %dma_start3A_52 = tpu.memref_squeeze %dma_start3A_51 : memref<1x19968xf32, #tpu.memory_space<hbm>> -> memref<19968xf32, #tpu.memory_space<hbm>>
      %dma_start3A_53 = tpu.memref_slice %arg4[%select_n3A, %mul3A_32] : memref<2x320000xf32, #tpu.memory_space<hbm>> -> memref<1x19968xf32, #tpu.memory_space<hbm>>
      %dma_start3A_54 = tpu.memref_squeeze %dma_start3A_53 : memref<1x19968xf32, #tpu.memory_space<hbm>> -> memref<19968xf32, #tpu.memory_space<hbm>>
      %dma_start3A_55 = arith.constant 0 : i32
      %dma_start3A_56 = tpu.memref_slice %arg7[%dma_start3A_55] : memref<20480xf32, #tpu.memory_space<vmem>> -> memref<19968xf32, #tpu.memory_space<vmem>>
      tpu.enqueue_dma source(%dma_start3A_56 : memref<19968xf32, #tpu.memory_space<vmem>>) target(%dma_start3A_54 : memref<19968xf32, #tpu.memory_space<hbm>>) target_semaphore(%run_scoped3A : memref<!tpu.dma_semaphore, #tpu.memory_space<semaphore_mem>>)
      %dma_wait3A = arith.constant 0 : i32
      %dma_wait3A_57 = tpu.memref_slice %arg7[%dma_wait3A] : memref<20480xf32, #tpu.memory_space<vmem>> -> memref<19968xf32, #tpu.memory_space<vmem>>
      %dma_wait3A_58 = tpu.memref_slice %arg4[%select_n3A, %mul3A_32] : memref<2x320000xf32, #tpu.memory_space<hbm>> -> memref<1x19968xf32, #tpu.memory_space<hbm>>
      %dma_wait3A_59 = tpu.memref_squeeze %dma_wait3A_58 : memref<1x19968xf32, #tpu.memory_space<hbm>> -> memref<19968xf32, #tpu.memory_space<hbm>>
      %dma_wait3A_60 = tpu.memref_slice %arg4[%select_n3A, %mul3A_32] : memref<2x320000xf32, #tpu.memory_space<hbm>> -> memref<1x19968xf32, #tpu.memory_space<hbm>>
      %dma_wait3A_61 = tpu.memref_squeeze %dma_wait3A_60 : memref<1x19968xf32, #tpu.memory_space<hbm>> -> memref<19968xf32, #tpu.memory_space<hbm>>
      %dma_wait3A_62 = arith.constant 0 : i32
      %dma_wait3A_63 = tpu.memref_slice %arg7[%dma_wait3A_62] : memref<20480xf32, #tpu.memory_space<vmem>> -> memref<19968xf32, #tpu.memory_space<vmem>>
      tpu.wait_dma2 semaphore(%run_scoped3A : memref<!tpu.dma_semaphore, #tpu.memory_space<semaphore_mem>>) src(%dma_wait3A_63 : memref<19968xf32, #tpu.memory_space<vmem>>) dst(%dma_wait3A_61 : memref<19968xf32, #tpu.memory_space<hbm>>)
      tpu.yield
    }) : () -> ()
    %convert_element_type3A_47 = arith.extui %eq3A_34 : i1 to i32
    %cond3A_48 = arith.constant 0 : i32
    %cond3A_49 = arith.cmpi ne, %convert_element_type3A_47, %cond3A_48 : i32
    scf.if %cond3A_49 {
      "tpu.region"() ({
        %run_scoped3A = tpu.sem_alloc : memref<!tpu.dma_semaphore, #tpu.memory_space<semaphore_mem>>
        %dma_start3A = arith.constant 19968 : i32
        %dma_start3A_50 = tpu.memref_slice %arg7[%dma_start3A] : memref<20480xf32, #tpu.memory_space<vmem>> -> memref<512xf32, #tpu.memory_space<vmem>>
        %dma_start3A_51 = arith.constant 319488 : i32
        %dma_start3A_52 = tpu.memref_slice %arg4[%select_n3A, %dma_start3A_51] : memref<2x320000xf32, #tpu.memory_space<hbm>> -> memref<1x512xf32, #tpu.memory_space<hbm>>
        %dma_start3A_53 = tpu.memref_squeeze %dma_start3A_52 : memref<1x512xf32, #tpu.memory_space<hbm>> -> memref<512xf32, #tpu.memory_space<hbm>>
        %dma_start3A_54 = arith.constant 319488 : i32
        %dma_start3A_55 = tpu.memref_slice %arg4[%select_n3A, %dma_start3A_54] : memref<2x320000xf32, #tpu.memory_space<hbm>> -> memref<1x512xf32, #tpu.memory_space<hbm>>
        %dma_start3A_56 = tpu.memref_squeeze %dma_start3A_55 : memref<1x512xf32, #tpu.memory_space<hbm>> -> memref<512xf32, #tpu.memory_space<hbm>>
        %dma_start3A_57 = arith.constant 19968 : i32
        %dma_start3A_58 = tpu.memref_slice %arg7[%dma_start3A_57] : memref<20480xf32, #tpu.memory_space<vmem>> -> memref<512xf32, #tpu.memory_space<vmem>>
        tpu.enqueue_dma source(%dma_start3A_58 : memref<512xf32, #tpu.memory_space<vmem>>) target(%dma_start3A_56 : memref<512xf32, #tpu.memory_space<hbm>>) target_semaphore(%run_scoped3A : memref<!tpu.dma_semaphore, #tpu.memory_space<semaphore_mem>>)
        %dma_wait3A = arith.constant 19968 : i32
        %dma_wait3A_59 = tpu.memref_slice %arg7[%dma_wait3A] : memref<20480xf32, #tpu.memory_space<vmem>> -> memref<512xf32, #tpu.memory_space<vmem>>
        %dma_wait3A_60 = arith.constant 319488 : i32
        %dma_wait3A_61 = tpu.memref_slice %arg4[%select_n3A, %dma_wait3A_60] : memref<2x320000xf32, #tpu.memory_space<hbm>> -> memref<1x512xf32, #tpu.memory_space<hbm>>
        %dma_wait3A_62 = tpu.memref_squeeze %dma_wait3A_61 : memref<1x512xf32, #tpu.memory_space<hbm>> -> memref<512xf32, #tpu.memory_space<hbm>>
        %dma_wait3A_63 = arith.constant 319488 : i32
        %dma_wait3A_64 = tpu.memref_slice %arg4[%select_n3A, %dma_wait3A_63] : memref<2x320000xf32, #tpu.memory_space<hbm>> -> memref<1x512xf32, #tpu.memory_space<hbm>>
        %dma_wait3A_65 = tpu.memref_squeeze %dma_wait3A_64 : memref<1x512xf32, #tpu.memory_space<hbm>> -> memref<512xf32, #tpu.memory_space<hbm>>
        %dma_wait3A_66 = arith.constant 19968 : i32
        %dma_wait3A_67 = tpu.memref_slice %arg7[%dma_wait3A_66] : memref<20480xf32, #tpu.memory_space<vmem>> -> memref<512xf32, #tpu.memory_space<vmem>>
        tpu.wait_dma2 semaphore(%run_scoped3A : memref<!tpu.dma_semaphore, #tpu.memory_space<semaphore_mem>>) src(%dma_wait3A_67 : memref<512xf32, #tpu.memory_space<vmem>>) dst(%dma_wait3A_65 : memref<512xf32, #tpu.memory_space<hbm>>)
        tpu.yield
      }) : () -> ()
    } else {
    }
    return
  }
}

#map = affine_map<(d0, d1) -> (0, 0)>
#map1 = affine_map<(d0, d1) -> (0)>
module attributes {stable_mosaic.version = 14 : i64} {
  func.func @_degree_body(%arg0: i32, %arg1: i32, %arg2: memref<2x320000xi32, #tpu.memory_space<hbm>>, %arg3: memref<2x10000xf32, #tpu.memory_space<hbm>>, %arg4: memref<640000xi32, #tpu.memory_space<hbm>>, %arg5: memref<2x9984xi32, #tpu.memory_space<vmem>>, %arg6: memref<2x512xi32, #tpu.memory_space<vmem>>, %arg7: memref<9984xi32, #tpu.memory_space<vmem>>, %arg8: memref<512xi32, #tpu.memory_space<vmem>>, %arg9: memref<9984xf32, #tpu.memory_space<vmem>>, %arg10: memref<10000xf32, #tpu.memory_space<vmem>>, %arg11: memref<10000xf32, #tpu.memory_space<vmem_shared>>) attributes {dimension_semantics = [#tpu.dimension_semantics<core_parallel>, #tpu.dimension_semantics<subcore_parallel>], iteration_bounds = array<i64: 2, 16>, scalar_prefetch = 0 : i64, scratch_operands = 7 : i64, tpu.core_type = #tpu.core_type<sc_vector_subcore>, window_params = [{transform_indices = #map}, {transform_indices = #map}, {transform_indices = #map1}]} {
    %mul3A = arith.constant 2 : i32
    %mul3A_0 = arith.muli %arg1, %mul3A : i32
    %add3A = arith.addi %mul3A_0, %arg0 : i32
    %mul3A_1 = arith.constant 9984 : i32
    %mul3A_2 = arith.muli %add3A, %mul3A_1 : i32
    %eq3A = arith.constant 31 : i32
    %eq3A_3 = arith.cmpi eq, %add3A, %eq3A : i32
    "tpu.region"() ({
      %run_scoped3A = tpu.sem_alloc : memref<!tpu.dma_semaphore, #tpu.memory_space<semaphore_mem>>
      %dma_start3A = arith.constant 0 : i32
      %dma_start3A_43 = tpu.memref_slice %arg2[%dma_start3A, %mul3A_2] : memref<2x320000xi32, #tpu.memory_space<hbm>> -> memref<2x9984xi32, #tpu.memory_space<hbm>>
      %dma_start3A_44 = arith.constant 0 : i32
      %dma_start3A_45 = tpu.memref_slice %arg2[%dma_start3A_44, %mul3A_2] : memref<2x320000xi32, #tpu.memory_space<hbm>> -> memref<2x9984xi32, #tpu.memory_space<hbm>>
      tpu.enqueue_dma source(%dma_start3A_45 : memref<2x9984xi32, #tpu.memory_space<hbm>>) target(%arg5 : memref<2x9984xi32, #tpu.memory_space<vmem>>) target_semaphore(%run_scoped3A : memref<!tpu.dma_semaphore, #tpu.memory_space<semaphore_mem>>)
      %dma_wait3A = arith.constant 0 : i32
      %dma_wait3A_46 = tpu.memref_slice %arg2[%dma_wait3A, %mul3A_2] : memref<2x320000xi32, #tpu.memory_space<hbm>> -> memref<2x9984xi32, #tpu.memory_space<hbm>>
      %dma_wait3A_47 = arith.constant 0 : i32
      %dma_wait3A_48 = tpu.memref_slice %arg2[%dma_wait3A_47, %mul3A_2] : memref<2x320000xi32, #tpu.memory_space<hbm>> -> memref<2x9984xi32, #tpu.memory_space<hbm>>
      tpu.wait_dma2 semaphore(%run_scoped3A : memref<!tpu.dma_semaphore, #tpu.memory_space<semaphore_mem>>) src(%dma_wait3A_48 : memref<2x9984xi32, #tpu.memory_space<hbm>>) dst(%arg5 : memref<2x9984xi32, #tpu.memory_space<vmem>>)
      tpu.yield
    }) : () -> ()
    %convert_element_type3A = arith.extui %eq3A_3 : i1 to i32
    %cond3A = arith.constant 0 : i32
    %cond3A_4 = arith.cmpi ne, %convert_element_type3A, %cond3A : i32
    scf.if %cond3A_4 {
      "tpu.region"() ({
        %run_scoped3A = tpu.sem_alloc : memref<!tpu.dma_semaphore, #tpu.memory_space<semaphore_mem>>
        %dma_start3A = arith.constant 0 : i32
        %dma_start3A_43 = arith.constant 319488 : i32
        %dma_start3A_44 = tpu.memref_slice %arg2[%dma_start3A, %dma_start3A_43] : memref<2x320000xi32, #tpu.memory_space<hbm>> -> memref<2x512xi32, #tpu.memory_space<hbm>>
        %dma_start3A_45 = arith.constant 0 : i32
        %dma_start3A_46 = arith.constant 319488 : i32
        %dma_start3A_47 = tpu.memref_slice %arg2[%dma_start3A_45, %dma_start3A_46] : memref<2x320000xi32, #tpu.memory_space<hbm>> -> memref<2x512xi32, #tpu.memory_space<hbm>>
        tpu.enqueue_dma source(%dma_start3A_47 : memref<2x512xi32, #tpu.memory_space<hbm>>) target(%arg6 : memref<2x512xi32, #tpu.memory_space<vmem>>) target_semaphore(%run_scoped3A : memref<!tpu.dma_semaphore, #tpu.memory_space<semaphore_mem>>)
        %dma_wait3A = arith.constant 0 : i32
        %dma_wait3A_48 = arith.constant 319488 : i32
        %dma_wait3A_49 = tpu.memref_slice %arg2[%dma_wait3A, %dma_wait3A_48] : memref<2x320000xi32, #tpu.memory_space<hbm>> -> memref<2x512xi32, #tpu.memory_space<hbm>>
        %dma_wait3A_50 = arith.constant 0 : i32
        %dma_wait3A_51 = arith.constant 319488 : i32
        %dma_wait3A_52 = tpu.memref_slice %arg2[%dma_wait3A_50, %dma_wait3A_51] : memref<2x320000xi32, #tpu.memory_space<hbm>> -> memref<2x512xi32, #tpu.memory_space<hbm>>
        tpu.wait_dma2 semaphore(%run_scoped3A : memref<!tpu.dma_semaphore, #tpu.memory_space<semaphore_mem>>) src(%dma_wait3A_52 : memref<2x512xi32, #tpu.memory_space<hbm>>) dst(%arg6 : memref<2x512xi32, #tpu.memory_space<vmem>>)
        tpu.yield
      }) : () -> ()
    } else {
    }
    %broadcast_in_dim3A = arith.constant 0.000000e+00 : f32
    %broadcast_in_dim3A_5 = vector.broadcast %broadcast_in_dim3A : f32 to vector<16xf32>
    %broadcast_in_dim3A_6 = arith.constant 1.000000e+00 : f32
    %broadcast_in_dim3A_7 = vector.broadcast %broadcast_in_dim3A_6 : f32 to vector<16xf32>
    %eq3A_8 = arith.constant 0 : i32
    %eq3A_9 = arith.cmpi eq, %arg1, %eq3A_8 : i32
    %convert_element_type3A_10 = arith.extui %eq3A_9 : i1 to i32
    %cond3A_11 = arith.constant 0 : i32
    %cond3A_12 = arith.cmpi ne, %convert_element_type3A_10, %cond3A_11 : i32
    scf.if %cond3A_12 {
      %scan3A_43 = arith.constant 0 : i32
      %scan3A_44 = arith.constant 0 : i32
      %scan3A_45 = arith.constant 625 : i32
      %scan3A_46 = arith.addi %scan3A_44, %scan3A_45 : i32
      %scan3A_47 = arith.constant 1 : i32
      scf.for %scan3A_49 = %scan3A_44 to %scan3A_46 step %scan3A_47  : i32 {
        %mul3A_50 = arith.constant 16 : i32
        %mul3A_51 = arith.muli %scan3A_49, %mul3A_50 : i32
        %swap3A = arith.index_cast %mul3A_51 : i32 to index
        %swap3A_52 = tpu.vector_load %arg10[%swap3A] {strides = array<i32>} : memref<10000xf32, #tpu.memory_space<vmem>>, vector<16xf32>,
        %swap3A_53 = vector.shape_cast %swap3A_52 : vector<16xf32> to vector<16xf32>
        %swap3A_54 = vector.shape_cast %broadcast_in_dim3A_5 : vector<16xf32> to vector<16xf32>
        tpu.vector_store %arg10[%swap3A], %swap3A_54 {strides = array<i32>} : memref<10000xf32, #tpu.memory_space<vmem>>, vector<16xf32>,
      }
      %scan3A_48 = arith.constant 625 : i32
      "tpu.region"() ({
        %run_scoped3A = tpu.sem_alloc : memref<!tpu.dma_semaphore, #tpu.memory_space<semaphore_mem>>
        tpu.enqueue_dma source(%arg10 : memref<10000xf32, #tpu.memory_space<vmem>>) target(%arg11 : memref<10000xf32, #tpu.memory_space<vmem_shared>>) target_semaphore(%run_scoped3A : memref<!tpu.dma_semaphore, #tpu.memory_space<semaphore_mem>>)
        tpu.wait_dma2 semaphore(%run_scoped3A : memref<!tpu.dma_semaphore, #tpu.memory_space<semaphore_mem>>) src(%arg10 : memref<10000xf32, #tpu.memory_space<vmem>>) dst(%arg11 : memref<10000xf32, #tpu.memory_space<vmem_shared>>)
        tpu.yield
      }) : () -> ()
    } else {
    }
    %scan3A = arith.constant 0 : i32
    %scan3A_13 = arith.constant 0 : i32
    %scan3A_14 = arith.constant 624 : i32
    %scan3A_15 = arith.addi %scan3A_13, %scan3A_14 : i32
    %scan3A_16 = arith.constant 1 : i32
    scf.for %scan3A_43 = %scan3A_13 to %scan3A_15 step %scan3A_16  : i32 {
      %mul3A_44 = arith.constant 16 : i32
      %mul3A_45 = arith.muli %scan3A_43, %mul3A_44 : i32
      %swap3A = arith.index_cast %mul3A_45 : i32 to index
      %swap3A_46 = tpu.vector_load %arg9[%swap3A] {strides = array<i32>} : memref<9984xf32, #tpu.memory_space<vmem>>, vector<16xf32>,
      %swap3A_47 = vector.shape_cast %swap3A_46 : vector<16xf32> to vector<16xf32>
      %swap3A_48 = vector.shape_cast %broadcast_in_dim3A_7 : vector<16xf32> to vector<16xf32>
      tpu.vector_store %arg9[%swap3A], %swap3A_48 {strides = array<i32>} : memref<9984xf32, #tpu.memory_space<vmem>>, vector<16xf32>,
    }
    %scan3A_17 = arith.constant 624 : i32
    %barrier3A = arith.constant 0 : index
    tpu.barrier barrier_id(%barrier3A)
    %scan3A_18 = arith.constant 0 : i32
    %scan3A_19 = arith.constant 0 : i32
    %scan3A_20 = arith.constant 78 : i32
    %scan3A_21 = arith.addi %scan3A_19, %scan3A_20 : i32
    %scan3A_22 = arith.constant 1 : i32
    scf.for %scan3A_43 = %scan3A_19 to %scan3A_21 step %scan3A_22  : i32 {
      %mul3A_44 = arith.constant 128 : i32
      %mul3A_45 = arith.muli %scan3A_43, %mul3A_44 : i32
      %add3A_46 = arith.constant 0 : i32
      %add3A_47 = arith.addi %mul3A_45, %add3A_46 : i32
      %get3A = arith.constant 0 : i32
      %get3A_48 = arith.index_cast %get3A : i32 to index
      %get3A_49 = arith.index_cast %add3A_47 : i32 to index
      %get3A_50 = tpu.vector_load %arg5[%get3A_48, %get3A_49] {strides = array<i32>} : memref<2x9984xi32, #tpu.memory_space<vmem>>, vector<1x16xi32>,
      %get3A_51 = vector.shape_cast %get3A_50 : vector<1x16xi32> to vector<16xi32>
      %swap3A = arith.index_cast %add3A_47 : i32 to index
      %swap3A_52 = tpu.vector_load %arg7[%swap3A] {strides = array<i32>} : memref<9984xi32, #tpu.memory_space<vmem>>, vector<16xi32>,
      %swap3A_53 = vector.shape_cast %swap3A_52 : vector<16xi32> to vector<16xi32>
      %swap3A_54 = vector.shape_cast %get3A_51 : vector<16xi32> to vector<16xi32>
      tpu.vector_store %arg7[%swap3A], %swap3A_54 {strides = array<i32>} : memref<9984xi32, #tpu.memory_space<vmem>>, vector<16xi32>,
      %mul3A_55 = arith.constant 128 : i32
      %mul3A_56 = arith.muli %scan3A_43, %mul3A_55 : i32
      %add3A_57 = arith.constant 16 : i32
      %add3A_58 = arith.addi %mul3A_56, %add3A_57 : i32
      %get3A_59 = arith.constant 0 : i32
      %get3A_60 = arith.index_cast %get3A_59 : i32 to index
      %get3A_61 = arith.index_cast %add3A_58 : i32 to index
      %get3A_62 = tpu.vector_load %arg5[%get3A_60, %get3A_61] {strides = array<i32>} : memref<2x9984xi32, #tpu.memory_space<vmem>>, vector<1x16xi32>,
      %get3A_63 = vector.shape_cast %get3A_62 : vector<1x16xi32> to vector<16xi32>
      %swap3A_64 = arith.index_cast %add3A_58 : i32 to index
      %swap3A_65 = tpu.vector_load %arg7[%swap3A_64] {strides = array<i32>} : memref<9984xi32, #tpu.memory_space<vmem>>, vector<16xi32>,
      %swap3A_66 = vector.shape_cast %swap3A_65 : vector<16xi32> to vector<16xi32>
      %swap3A_67 = vector.shape_cast %get3A_63 : vector<16xi32> to vector<16xi32>
      tpu.vector_store %arg7[%swap3A_64], %swap3A_67 {strides = array<i32>} : memref<9984xi32, #tpu.memory_space<vmem>>, vector<16xi32>,
      %mul3A_68 = arith.constant 128 : i32
      %mul3A_69 = arith.muli %scan3A_43, %mul3A_68 : i32
      %add3A_70 = arith.constant 32 : i32
      %add3A_71 = arith.addi %mul3A_69, %add3A_70 : i32
      %get3A_72 = arith.constant 0 : i32
      %get3A_73 = arith.index_cast %get3A_72 : i32 to index
      %get3A_74 = arith.index_cast %add3A_71 : i32 to index
      %get3A_75 = tpu.vector_load %arg5[%get3A_73, %get3A_74] {strides = array<i32>} : memref<2x9984xi32, #tpu.memory_space<vmem>>, vector<1x16xi32>,
      %get3A_76 = vector.shape_cast %get3A_75 : vector<1x16xi32> to vector<16xi32>
      %swap3A_77 = arith.index_cast %add3A_71 : i32 to index
      %swap3A_78 = tpu.vector_load %arg7[%swap3A_77] {strides = array<i32>} : memref<9984xi32, #tpu.memory_space<vmem>>, vector<16xi32>,
      %swap3A_79 = vector.shape_cast %swap3A_78 : vector<16xi32> to vector<16xi32>
      %swap3A_80 = vector.shape_cast %get3A_76 : vector<16xi32> to vector<16xi32>
      tpu.vector_store %arg7[%swap3A_77], %swap3A_80 {strides = array<i32>} : memref<9984xi32, #tpu.memory_space<vmem>>, vector<16xi32>,
      %mul3A_81 = arith.constant 128 : i32
      %mul3A_82 = arith.muli %scan3A_43, %mul3A_81 : i32
      %add3A_83 = arith.constant 48 : i32
      %add3A_84 = arith.addi %mul3A_82, %add3A_83 : i32
      %get3A_85 = arith.constant 0 : i32
      %get3A_86 = arith.index_cast %get3A_85 : i32 to index
      %get3A_87 = arith.index_cast %add3A_84 : i32 to index
      %get3A_88 = tpu.vector_load %arg5[%get3A_86, %get3A_87] {strides = array<i32>} : memref<2x9984xi32, #tpu.memory_space<vmem>>, vector<1x16xi32>,
      %get3A_89 = vector.shape_cast %get3A_88 : vector<1x16xi32> to vector<16xi32>
      %swap3A_90 = arith.index_cast %add3A_84 : i32 to index
      %swap3A_91 = tpu.vector_load %arg7[%swap3A_90] {strides = array<i32>} : memref<9984xi32, #tpu.memory_space<vmem>>, vector<16xi32>,
      %swap3A_92 = vector.shape_cast %swap3A_91 : vector<16xi32> to vector<16xi32>
      %swap3A_93 = vector.shape_cast %get3A_89 : vector<16xi32> to vector<16xi32>
      tpu.vector_store %arg7[%swap3A_90], %swap3A_93 {strides = array<i32>} : memref<9984xi32, #tpu.memory_space<vmem>>, vector<16xi32>,
      %mul3A_94 = arith.constant 128 : i32
      %mul3A_95 = arith.muli %scan3A_43, %mul3A_94 : i32
      %add3A_96 = arith.constant 64 : i32
      %add3A_97 = arith.addi %mul3A_95, %add3A_96 : i32
      %get3A_98 = arith.constant 0 : i32
      %get3A_99 = arith.index_cast %get3A_98 : i32 to index
      %get3A_100 = arith.index_cast %add3A_97 : i32 to index
      %get3A_101 = tpu.vector_load %arg5[%get3A_99, %get3A_100] {strides = array<i32>} : memref<2x9984xi32, #tpu.memory_space<vmem>>, vector<1x16xi32>,
      %get3A_102 = vector.shape_cast %get3A_101 : vector<1x16xi32> to vector<16xi32>
      %swap3A_103 = arith.index_cast %add3A_97 : i32 to index
      %swap3A_104 = tpu.vector_load %arg7[%swap3A_103] {strides = array<i32>} : memref<9984xi32, #tpu.memory_space<vmem>>, vector<16xi32>,
      %swap3A_105 = vector.shape_cast %swap3A_104 : vector<16xi32> to vector<16xi32>
      %swap3A_106 = vector.shape_cast %get3A_102 : vector<16xi32> to vector<16xi32>
      tpu.vector_store %arg7[%swap3A_103], %swap3A_106 {strides = array<i32>} : memref<9984xi32, #tpu.memory_space<vmem>>, vector<16xi32>,
      %mul3A_107 = arith.constant 128 : i32
      %mul3A_108 = arith.muli %scan3A_43, %mul3A_107 : i32
      %add3A_109 = arith.constant 80 : i32
      %add3A_110 = arith.addi %mul3A_108, %add3A_109 : i32
      %get3A_111 = arith.constant 0 : i32
      %get3A_112 = arith.index_cast %get3A_111 : i32 to index
      %get3A_113 = arith.index_cast %add3A_110 : i32 to index
      %get3A_114 = tpu.vector_load %arg5[%get3A_112, %get3A_113] {strides = array<i32>} : memref<2x9984xi32, #tpu.memory_space<vmem>>, vector<1x16xi32>,
      %get3A_115 = vector.shape_cast %get3A_114 : vector<1x16xi32> to vector<16xi32>
      %swap3A_116 = arith.index_cast %add3A_110 : i32 to index
      %swap3A_117 = tpu.vector_load %arg7[%swap3A_116] {strides = array<i32>} : memref<9984xi32, #tpu.memory_space<vmem>>, vector<16xi32>,
      %swap3A_118 = vector.shape_cast %swap3A_117 : vector<16xi32> to vector<16xi32>
      %swap3A_119 = vector.shape_cast %get3A_115 : vector<16xi32> to vector<16xi32>
      tpu.vector_store %arg7[%swap3A_116], %swap3A_119 {strides = array<i32>} : memref<9984xi32, #tpu.memory_space<vmem>>, vector<16xi32>,
      %mul3A_120 = arith.constant 128 : i32
      %mul3A_121 = arith.muli %scan3A_43, %mul3A_120 : i32
      %add3A_122 = arith.constant 96 : i32
      %add3A_123 = arith.addi %mul3A_121, %add3A_122 : i32
      %get3A_124 = arith.constant 0 : i32
      %get3A_125 = arith.index_cast %get3A_124 : i32 to index
      %get3A_126 = arith.index_cast %add3A_123 : i32 to index
      %get3A_127 = tpu.vector_load %arg5[%get3A_125, %get3A_126] {strides = array<i32>} : memref<2x9984xi32, #tpu.memory_space<vmem>>, vector<1x16xi32>,
      %get3A_128 = vector.shape_cast %get3A_127 : vector<1x16xi32> to vector<16xi32>
      %swap3A_129 = arith.index_cast %add3A_123 : i32 to index
      %swap3A_130 = tpu.vector_load %arg7[%swap3A_129] {strides = array<i32>} : memref<9984xi32, #tpu.memory_space<vmem>>, vector<16xi32>,
      %swap3A_131 = vector.shape_cast %swap3A_130 : vector<16xi32> to vector<16xi32>
      %swap3A_132 = vector.shape_cast %get3A_128 : vector<16xi32> to vector<16xi32>
      tpu.vector_store %arg7[%swap3A_129], %swap3A_132 {strides = array<i32>} : memref<9984xi32, #tpu.memory_space<vmem>>, vector<16xi32>,
      %mul3A_133 = arith.constant 128 : i32
      %mul3A_134 = arith.muli %scan3A_43, %mul3A_133 : i32
      %add3A_135 = arith.constant 112 : i32
      %add3A_136 = arith.addi %mul3A_134, %add3A_135 : i32
      %get3A_137 = arith.constant 0 : i32
      %get3A_138 = arith.index_cast %get3A_137 : i32 to index
      %get3A_139 = arith.index_cast %add3A_136 : i32 to index
      %get3A_140 = tpu.vector_load %arg5[%get3A_138, %get3A_139] {strides = array<i32>} : memref<2x9984xi32, #tpu.memory_space<vmem>>, vector<1x16xi32>,
      %get3A_141 = vector.shape_cast %get3A_140 : vector<1x16xi32> to vector<16xi32>
      %swap3A_142 = arith.index_cast %add3A_136 : i32 to index
      %swap3A_143 = tpu.vector_load %arg7[%swap3A_142] {strides = array<i32>} : memref<9984xi32, #tpu.memory_space<vmem>>, vector<16xi32>,
      %swap3A_144 = vector.shape_cast %swap3A_143 : vector<16xi32> to vector<16xi32>
      %swap3A_145 = vector.shape_cast %get3A_141 : vector<16xi32> to vector<16xi32>
      tpu.vector_store %arg7[%swap3A_142], %swap3A_145 {strides = array<i32>} : memref<9984xi32, #tpu.memory_space<vmem>>, vector<16xi32>,
    }
    %scan3A_23 = arith.constant 78 : i32
    %add3A_24 = arith.constant 0 : i32
    %add3A_25 = arith.addi %add3A_24, %mul3A_2 : i32
    "tpu.region"() ({
      %run_scoped3A = tpu.sem_alloc : memref<!tpu.dma_semaphore, #tpu.memory_space<semaphore_mem>>
      %dma_start3A = tpu.memref_slice %arg4[%add3A_25] : memref<640000xi32, #tpu.memory_space<hbm>> -> memref<9984xi32, #tpu.memory_space<hbm>>
      %dma_start3A_43 = tpu.memref_slice %arg4[%add3A_25] : memref<640000xi32, #tpu.memory_space<hbm>> -> memref<9984xi32, #tpu.memory_space<hbm>>
      tpu.enqueue_dma source(%arg7 : memref<9984xi32, #tpu.memory_space<vmem>>) target(%dma_start3A_43 : memref<9984xi32, #tpu.memory_space<hbm>>) target_semaphore(%run_scoped3A : memref<!tpu.dma_semaphore, #tpu.memory_space<semaphore_mem>>)
      %dma_wait3A = tpu.memref_slice %arg4[%add3A_25] : memref<640000xi32, #tpu.memory_space<hbm>> -> memref<9984xi32, #tpu.memory_space<hbm>>
      %dma_wait3A_44 = tpu.memref_slice %arg4[%add3A_25] : memref<640000xi32, #tpu.memory_space<hbm>> -> memref<9984xi32, #tpu.memory_space<hbm>>
      tpu.wait_dma2 semaphore(%run_scoped3A : memref<!tpu.dma_semaphore, #tpu.memory_space<semaphore_mem>>) src(%arg7 : memref<9984xi32, #tpu.memory_space<vmem>>) dst(%dma_wait3A_44 : memref<9984xi32, #tpu.memory_space<hbm>>)
      tpu.yield
    }) : () -> ()
    "tpu.region"() ({
      %run_scoped3A = tpu.sem_alloc : memref<!tpu.dma_semaphore, #tpu.memory_space<semaphore_mem>>
      %dma_start3A = arith.constant 0 : i32
      %dma_start3A_43 = tpu.memref_slice %arg11[%dma_start3A] : memref<10000xf32, #tpu.memory_space<vmem_shared>> -> memref<10000xf32, #tpu.memory_space<vmem_shared>>
      tpu.enqueue_indirect_dma source(%arg9 : memref<9984xf32, #tpu.memory_space<vmem>>) target(%dma_start3A_43 : memref<10000xf32, #tpu.memory_space<vmem_shared>>) offsets(%arg7 : memref<9984xi32, #tpu.memory_space<vmem>>) semaphore(%run_scoped3A : memref<!tpu.dma_semaphore, #tpu.memory_space<semaphore_mem>>) {add = true}
      %dma_wait3A = arith.constant 0 : i32
      %dma_wait3A_44 = tpu.memref_slice %arg11[%dma_wait3A] : memref<10000xf32, #tpu.memory_space<vmem_shared>> -> memref<10000xf32, #tpu.memory_space<vmem_shared>>
      tpu.wait_indirect_dma semaphore(%run_scoped3A : memref<!tpu.dma_semaphore, #tpu.memory_space<semaphore_mem>>) src(%arg9 : memref<9984xf32, #tpu.memory_space<vmem>>) dst(%dma_wait3A_44 : memref<10000xf32, #tpu.memory_space<vmem_shared>>)
      tpu.yield
    }) : () -> ()
    %scan3A_26 = arith.constant 0 : i32
    %scan3A_27 = arith.constant 0 : i32
    %scan3A_28 = arith.constant 78 : i32
    %scan3A_29 = arith.addi %scan3A_27, %scan3A_28 : i32
    %scan3A_30 = arith.constant 1 : i32
    scf.for %scan3A_43 = %scan3A_27 to %scan3A_29 step %scan3A_30  : i32 {
      %mul3A_44 = arith.constant 128 : i32
      %mul3A_45 = arith.muli %scan3A_43, %mul3A_44 : i32
      %add3A_46 = arith.constant 0 : i32
      %add3A_47 = arith.addi %mul3A_45, %add3A_46 : i32
      %get3A = arith.constant 1 : i32
      %get3A_48 = arith.index_cast %get3A : i32 to index
      %get3A_49 = arith.index_cast %add3A_47 : i32 to index
      %get3A_50 = tpu.vector_load %arg5[%get3A_48, %get3A_49] {strides = array<i32>} : memref<2x9984xi32, #tpu.memory_space<vmem>>, vector<1x16xi32>,
      %get3A_51 = vector.shape_cast %get3A_50 : vector<1x16xi32> to vector<16xi32>
      %swap3A = arith.index_cast %add3A_47 : i32 to index
      %swap3A_52 = tpu.vector_load %arg7[%swap3A] {strides = array<i32>} : memref<9984xi32, #tpu.memory_space<vmem>>, vector<16xi32>,
      %swap3A_53 = vector.shape_cast %swap3A_52 : vector<16xi32> to vector<16xi32>
      %swap3A_54 = vector.shape_cast %get3A_51 : vector<16xi32> to vector<16xi32>
      tpu.vector_store %arg7[%swap3A], %swap3A_54 {strides = array<i32>} : memref<9984xi32, #tpu.memory_space<vmem>>, vector<16xi32>,
      %mul3A_55 = arith.constant 128 : i32
      %mul3A_56 = arith.muli %scan3A_43, %mul3A_55 : i32
      %add3A_57 = arith.constant 16 : i32
      %add3A_58 = arith.addi %mul3A_56, %add3A_57 : i32
      %get3A_59 = arith.constant 1 : i32
      %get3A_60 = arith.index_cast %get3A_59 : i32 to index
      %get3A_61 = arith.index_cast %add3A_58 : i32 to index
      %get3A_62 = tpu.vector_load %arg5[%get3A_60, %get3A_61] {strides = array<i32>} : memref<2x9984xi32, #tpu.memory_space<vmem>>, vector<1x16xi32>,
      %get3A_63 = vector.shape_cast %get3A_62 : vector<1x16xi32> to vector<16xi32>
      %swap3A_64 = arith.index_cast %add3A_58 : i32 to index
      %swap3A_65 = tpu.vector_load %arg7[%swap3A_64] {strides = array<i32>} : memref<9984xi32, #tpu.memory_space<vmem>>, vector<16xi32>,
      %swap3A_66 = vector.shape_cast %swap3A_65 : vector<16xi32> to vector<16xi32>
      %swap3A_67 = vector.shape_cast %get3A_63 : vector<16xi32> to vector<16xi32>
      tpu.vector_store %arg7[%swap3A_64], %swap3A_67 {strides = array<i32>} : memref<9984xi32, #tpu.memory_space<vmem>>, vector<16xi32>,
      %mul3A_68 = arith.constant 128 : i32
      %mul3A_69 = arith.muli %scan3A_43, %mul3A_68 : i32
      %add3A_70 = arith.constant 32 : i32
      %add3A_71 = arith.addi %mul3A_69, %add3A_70 : i32
      %get3A_72 = arith.constant 1 : i32
      %get3A_73 = arith.index_cast %get3A_72 : i32 to index
      %get3A_74 = arith.index_cast %add3A_71 : i32 to index
      %get3A_75 = tpu.vector_load %arg5[%get3A_73, %get3A_74] {strides = array<i32>} : memref<2x9984xi32, #tpu.memory_space<vmem>>, vector<1x16xi32>,
      %get3A_76 = vector.shape_cast %get3A_75 : vector<1x16xi32> to vector<16xi32>
      %swap3A_77 = arith.index_cast %add3A_71 : i32 to index
      %swap3A_78 = tpu.vector_load %arg7[%swap3A_77] {strides = array<i32>} : memref<9984xi32, #tpu.memory_space<vmem>>, vector<16xi32>,
      %swap3A_79 = vector.shape_cast %swap3A_78 : vector<16xi32> to vector<16xi32>
      %swap3A_80 = vector.shape_cast %get3A_76 : vector<16xi32> to vector<16xi32>
      tpu.vector_store %arg7[%swap3A_77], %swap3A_80 {strides = array<i32>} : memref<9984xi32, #tpu.memory_space<vmem>>, vector<16xi32>,
      %mul3A_81 = arith.constant 128 : i32
      %mul3A_82 = arith.muli %scan3A_43, %mul3A_81 : i32
      %add3A_83 = arith.constant 48 : i32
      %add3A_84 = arith.addi %mul3A_82, %add3A_83 : i32
      %get3A_85 = arith.constant 1 : i32
      %get3A_86 = arith.index_cast %get3A_85 : i32 to index
      %get3A_87 = arith.index_cast %add3A_84 : i32 to index
      %get3A_88 = tpu.vector_load %arg5[%get3A_86, %get3A_87] {strides = array<i32>} : memref<2x9984xi32, #tpu.memory_space<vmem>>, vector<1x16xi32>,
      %get3A_89 = vector.shape_cast %get3A_88 : vector<1x16xi32> to vector<16xi32>
      %swap3A_90 = arith.index_cast %add3A_84 : i32 to index
      %swap3A_91 = tpu.vector_load %arg7[%swap3A_90] {strides = array<i32>} : memref<9984xi32, #tpu.memory_space<vmem>>, vector<16xi32>,
      %swap3A_92 = vector.shape_cast %swap3A_91 : vector<16xi32> to vector<16xi32>
      %swap3A_93 = vector.shape_cast %get3A_89 : vector<16xi32> to vector<16xi32>
      tpu.vector_store %arg7[%swap3A_90], %swap3A_93 {strides = array<i32>} : memref<9984xi32, #tpu.memory_space<vmem>>, vector<16xi32>,
      %mul3A_94 = arith.constant 128 : i32
      %mul3A_95 = arith.muli %scan3A_43, %mul3A_94 : i32
      %add3A_96 = arith.constant 64 : i32
      %add3A_97 = arith.addi %mul3A_95, %add3A_96 : i32
      %get3A_98 = arith.constant 1 : i32
      %get3A_99 = arith.index_cast %get3A_98 : i32 to index
      %get3A_100 = arith.index_cast %add3A_97 : i32 to index
      %get3A_101 = tpu.vector_load %arg5[%get3A_99, %get3A_100] {strides = array<i32>} : memref<2x9984xi32, #tpu.memory_space<vmem>>, vector<1x16xi32>,
      %get3A_102 = vector.shape_cast %get3A_101 : vector<1x16xi32> to vector<16xi32>
      %swap3A_103 = arith.index_cast %add3A_97 : i32 to index
      %swap3A_104 = tpu.vector_load %arg7[%swap3A_103] {strides = array<i32>} : memref<9984xi32, #tpu.memory_space<vmem>>, vector<16xi32>,
      %swap3A_105 = vector.shape_cast %swap3A_104 : vector<16xi32> to vector<16xi32>
      %swap3A_106 = vector.shape_cast %get3A_102 : vector<16xi32> to vector<16xi32>
      tpu.vector_store %arg7[%swap3A_103], %swap3A_106 {strides = array<i32>} : memref<9984xi32, #tpu.memory_space<vmem>>, vector<16xi32>,
      %mul3A_107 = arith.constant 128 : i32
      %mul3A_108 = arith.muli %scan3A_43, %mul3A_107 : i32
      %add3A_109 = arith.constant 80 : i32
      %add3A_110 = arith.addi %mul3A_108, %add3A_109 : i32
      %get3A_111 = arith.constant 1 : i32
      %get3A_112 = arith.index_cast %get3A_111 : i32 to index
      %get3A_113 = arith.index_cast %add3A_110 : i32 to index
      %get3A_114 = tpu.vector_load %arg5[%get3A_112, %get3A_113] {strides = array<i32>} : memref<2x9984xi32, #tpu.memory_space<vmem>>, vector<1x16xi32>,
      %get3A_115 = vector.shape_cast %get3A_114 : vector<1x16xi32> to vector<16xi32>
      %swap3A_116 = arith.index_cast %add3A_110 : i32 to index
      %swap3A_117 = tpu.vector_load %arg7[%swap3A_116] {strides = array<i32>} : memref<9984xi32, #tpu.memory_space<vmem>>, vector<16xi32>,
      %swap3A_118 = vector.shape_cast %swap3A_117 : vector<16xi32> to vector<16xi32>
      %swap3A_119 = vector.shape_cast %get3A_115 : vector<16xi32> to vector<16xi32>
      tpu.vector_store %arg7[%swap3A_116], %swap3A_119 {strides = array<i32>} : memref<9984xi32, #tpu.memory_space<vmem>>, vector<16xi32>,
      %mul3A_120 = arith.constant 128 : i32
      %mul3A_121 = arith.muli %scan3A_43, %mul3A_120 : i32
      %add3A_122 = arith.constant 96 : i32
      %add3A_123 = arith.addi %mul3A_121, %add3A_122 : i32
      %get3A_124 = arith.constant 1 : i32
      %get3A_125 = arith.index_cast %get3A_124 : i32 to index
      %get3A_126 = arith.index_cast %add3A_123 : i32 to index
      %get3A_127 = tpu.vector_load %arg5[%get3A_125, %get3A_126] {strides = array<i32>} : memref<2x9984xi32, #tpu.memory_space<vmem>>, vector<1x16xi32>,
      %get3A_128 = vector.shape_cast %get3A_127 : vector<1x16xi32> to vector<16xi32>
      %swap3A_129 = arith.index_cast %add3A_123 : i32 to index
      %swap3A_130 = tpu.vector_load %arg7[%swap3A_129] {strides = array<i32>} : memref<9984xi32, #tpu.memory_space<vmem>>, vector<16xi32>,
      %swap3A_131 = vector.shape_cast %swap3A_130 : vector<16xi32> to vector<16xi32>
      %swap3A_132 = vector.shape_cast %get3A_128 : vector<16xi32> to vector<16xi32>
      tpu.vector_store %arg7[%swap3A_129], %swap3A_132 {strides = array<i32>} : memref<9984xi32, #tpu.memory_space<vmem>>, vector<16xi32>,
      %mul3A_133 = arith.constant 128 : i32
      %mul3A_134 = arith.muli %scan3A_43, %mul3A_133 : i32
      %add3A_135 = arith.constant 112 : i32
      %add3A_136 = arith.addi %mul3A_134, %add3A_135 : i32
      %get3A_137 = arith.constant 1 : i32
      %get3A_138 = arith.index_cast %get3A_137 : i32 to index
      %get3A_139 = arith.index_cast %add3A_136 : i32 to index
      %get3A_140 = tpu.vector_load %arg5[%get3A_138, %get3A_139] {strides = array<i32>} : memref<2x9984xi32, #tpu.memory_space<vmem>>, vector<1x16xi32>,
      %get3A_141 = vector.shape_cast %get3A_140 : vector<1x16xi32> to vector<16xi32>
      %swap3A_142 = arith.index_cast %add3A_136 : i32 to index
      %swap3A_143 = tpu.vector_load %arg7[%swap3A_142] {strides = array<i32>} : memref<9984xi32, #tpu.memory_space<vmem>>, vector<16xi32>,
      %swap3A_144 = vector.shape_cast %swap3A_143 : vector<16xi32> to vector<16xi32>
      %swap3A_145 = vector.shape_cast %get3A_141 : vector<16xi32> to vector<16xi32>
      tpu.vector_store %arg7[%swap3A_142], %swap3A_145 {strides = array<i32>} : memref<9984xi32, #tpu.memory_space<vmem>>, vector<16xi32>,
    }
    %scan3A_31 = arith.constant 78 : i32
    %add3A_32 = arith.constant 320000 : i32
    %add3A_33 = arith.addi %add3A_32, %mul3A_2 : i32
    "tpu.region"() ({
      %run_scoped3A = tpu.sem_alloc : memref<!tpu.dma_semaphore, #tpu.memory_space<semaphore_mem>>
      %dma_start3A = tpu.memref_slice %arg4[%add3A_33] : memref<640000xi32, #tpu.memory_space<hbm>> -> memref<9984xi32, #tpu.memory_space<hbm>>
      %dma_start3A_43 = tpu.memref_slice %arg4[%add3A_33] : memref<640000xi32, #tpu.memory_space<hbm>> -> memref<9984xi32, #tpu.memory_space<hbm>>
      tpu.enqueue_dma source(%arg7 : memref<9984xi32, #tpu.memory_space<vmem>>) target(%dma_start3A_43 : memref<9984xi32, #tpu.memory_space<hbm>>) target_semaphore(%run_scoped3A : memref<!tpu.dma_semaphore, #tpu.memory_space<semaphore_mem>>)
      %dma_wait3A = tpu.memref_slice %arg4[%add3A_33] : memref<640000xi32, #tpu.memory_space<hbm>> -> memref<9984xi32, #tpu.memory_space<hbm>>
      %dma_wait3A_44 = tpu.memref_slice %arg4[%add3A_33] : memref<640000xi32, #tpu.memory_space<hbm>> -> memref<9984xi32, #tpu.memory_space<hbm>>
      tpu.wait_dma2 semaphore(%run_scoped3A : memref<!tpu.dma_semaphore, #tpu.memory_space<semaphore_mem>>) src(%arg7 : memref<9984xi32, #tpu.memory_space<vmem>>) dst(%dma_wait3A_44 : memref<9984xi32, #tpu.memory_space<hbm>>)
      tpu.yield
    }) : () -> ()
    "tpu.region"() ({
      %run_scoped3A = tpu.sem_alloc : memref<!tpu.dma_semaphore, #tpu.memory_space<semaphore_mem>>
      %dma_start3A = arith.constant 0 : i32
      %dma_start3A_43 = tpu.memref_slice %arg11[%dma_start3A] : memref<10000xf32, #tpu.memory_space<vmem_shared>> -> memref<10000xf32, #tpu.memory_space<vmem_shared>>
      tpu.enqueue_indirect_dma source(%arg9 : memref<9984xf32, #tpu.memory_space<vmem>>) target(%dma_start3A_43 : memref<10000xf32, #tpu.memory_space<vmem_shared>>) offsets(%arg7 : memref<9984xi32, #tpu.memory_space<vmem>>) semaphore(%run_scoped3A : memref<!tpu.dma_semaphore, #tpu.memory_space<semaphore_mem>>) {add = true}
      %dma_wait3A = arith.constant 0 : i32
      %dma_wait3A_44 = tpu.memref_slice %arg11[%dma_wait3A] : memref<10000xf32, #tpu.memory_space<vmem_shared>> -> memref<10000xf32, #tpu.memory_space<vmem_shared>>
      tpu.wait_indirect_dma semaphore(%run_scoped3A : memref<!tpu.dma_semaphore, #tpu.memory_space<semaphore_mem>>) src(%arg9 : memref<9984xf32, #tpu.memory_space<vmem>>) dst(%dma_wait3A_44 : memref<10000xf32, #tpu.memory_space<vmem_shared>>)
      tpu.yield
    }) : () -> ()
    %convert_element_type3A_34 = arith.extui %eq3A_3 : i1 to i32
    %cond3A_35 = arith.constant 0 : i32
    %cond3A_36 = arith.cmpi ne, %convert_element_type3A_34, %cond3A_35 : i32
    scf.if %cond3A_36 {
      %scan3A_43 = arith.constant 0 : i32
      %scan3A_44 = arith.constant 0 : i32
      %scan3A_45 = arith.constant 4 : i32
      %scan3A_46 = arith.addi %scan3A_44, %scan3A_45 : i32
      %scan3A_47 = arith.constant 1 : i32
      scf.for %scan3A_55 = %scan3A_44 to %scan3A_46 step %scan3A_47  : i32 {
        %mul3A_56 = arith.constant 128 : i32
        %mul3A_57 = arith.muli %scan3A_55, %mul3A_56 : i32
        %add3A_58 = arith.constant 0 : i32
        %add3A_59 = arith.addi %mul3A_57, %add3A_58 : i32
        %get3A = arith.constant 0 : i32
        %get3A_60 = arith.index_cast %get3A : i32 to index
        %get3A_61 = arith.index_cast %add3A_59 : i32 to index
        %get3A_62 = tpu.vector_load %arg6[%get3A_60, %get3A_61] {strides = array<i32>} : memref<2x512xi32, #tpu.memory_space<vmem>>, vector<1x16xi32>,
        %get3A_63 = vector.shape_cast %get3A_62 : vector<1x16xi32> to vector<16xi32>
        %swap3A = arith.index_cast %add3A_59 : i32 to index
        %swap3A_64 = tpu.vector_load %arg8[%swap3A] {strides = array<i32>} : memref<512xi32, #tpu.memory_space<vmem>>, vector<16xi32>,
        %swap3A_65 = vector.shape_cast %swap3A_64 : vector<16xi32> to vector<16xi32>
        %swap3A_66 = vector.shape_cast %get3A_63 : vector<16xi32> to vector<16xi32>
        tpu.vector_store %arg8[%swap3A], %swap3A_66 {strides = array<i32>} : memref<512xi32, #tpu.memory_space<vmem>>, vector<16xi32>,
        %mul3A_67 = arith.constant 128 : i32
        %mul3A_68 = arith.muli %scan3A_55, %mul3A_67 : i32
        %add3A_69 = arith.constant 16 : i32
        %add3A_70 = arith.addi %mul3A_68, %add3A_69 : i32
        %get3A_71 = arith.constant 0 : i32
        %get3A_72 = arith.index_cast %get3A_71 : i32 to index
        %get3A_73 = arith.index_cast %add3A_70 : i32 to index
        %get3A_74 = tpu.vector_load %arg6[%get3A_72, %get3A_73] {strides = array<i32>} : memref<2x512xi32, #tpu.memory_space<vmem>>, vector<1x16xi32>,
        %get3A_75 = vector.shape_cast %get3A_74 : vector<1x16xi32> to vector<16xi32>
        %swap3A_76 = arith.index_cast %add3A_70 : i32 to index
        %swap3A_77 = tpu.vector_load %arg8[%swap3A_76] {strides = array<i32>} : memref<512xi32, #tpu.memory_space<vmem>>, vector<16xi32>,
        %swap3A_78 = vector.shape_cast %swap3A_77 : vector<16xi32> to vector<16xi32>
        %swap3A_79 = vector.shape_cast %get3A_75 : vector<16xi32> to vector<16xi32>
        tpu.vector_store %arg8[%swap3A_76], %swap3A_79 {strides = array<i32>} : memref<512xi32, #tpu.memory_space<vmem>>, vector<16xi32>,
        %mul3A_80 = arith.constant 128 : i32
        %mul3A_81 = arith.muli %scan3A_55, %mul3A_80 : i32
        %add3A_82 = arith.constant 32 : i32
        %add3A_83 = arith.addi %mul3A_81, %add3A_82 : i32
        %get3A_84 = arith.constant 0 : i32
        %get3A_85 = arith.index_cast %get3A_84 : i32 to index
        %get3A_86 = arith.index_cast %add3A_83 : i32 to index
        %get3A_87 = tpu.vector_load %arg6[%get3A_85, %get3A_86] {strides = array<i32>} : memref<2x512xi32, #tpu.memory_space<vmem>>, vector<1x16xi32>,
        %get3A_88 = vector.shape_cast %get3A_87 : vector<1x16xi32> to vector<16xi32>
        %swap3A_89 = arith.index_cast %add3A_83 : i32 to index
        %swap3A_90 = tpu.vector_load %arg8[%swap3A_89] {strides = array<i32>} : memref<512xi32, #tpu.memory_space<vmem>>, vector<16xi32>,
        %swap3A_91 = vector.shape_cast %swap3A_90 : vector<16xi32> to vector<16xi32>
        %swap3A_92 = vector.shape_cast %get3A_88 : vector<16xi32> to vector<16xi32>
        tpu.vector_store %arg8[%swap3A_89], %swap3A_92 {strides = array<i32>} : memref<512xi32, #tpu.memory_space<vmem>>, vector<16xi32>,
        %mul3A_93 = arith.constant 128 : i32
        %mul3A_94 = arith.muli %scan3A_55, %mul3A_93 : i32
        %add3A_95 = arith.constant 48 : i32
        %add3A_96 = arith.addi %mul3A_94, %add3A_95 : i32
        %get3A_97 = arith.constant 0 : i32
        %get3A_98 = arith.index_cast %get3A_97 : i32 to index
        %get3A_99 = arith.index_cast %add3A_96 : i32 to index
        %get3A_100 = tpu.vector_load %arg6[%get3A_98, %get3A_99] {strides = array<i32>} : memref<2x512xi32, #tpu.memory_space<vmem>>, vector<1x16xi32>,
        %get3A_101 = vector.shape_cast %get3A_100 : vector<1x16xi32> to vector<16xi32>
        %swap3A_102 = arith.index_cast %add3A_96 : i32 to index
        %swap3A_103 = tpu.vector_load %arg8[%swap3A_102] {strides = array<i32>} : memref<512xi32, #tpu.memory_space<vmem>>, vector<16xi32>,
        %swap3A_104 = vector.shape_cast %swap3A_103 : vector<16xi32> to vector<16xi32>
        %swap3A_105 = vector.shape_cast %get3A_101 : vector<16xi32> to vector<16xi32>
        tpu.vector_store %arg8[%swap3A_102], %swap3A_105 {strides = array<i32>} : memref<512xi32, #tpu.memory_space<vmem>>, vector<16xi32>,
        %mul3A_106 = arith.constant 128 : i32
        %mul3A_107 = arith.muli %scan3A_55, %mul3A_106 : i32
        %add3A_108 = arith.constant 64 : i32
        %add3A_109 = arith.addi %mul3A_107, %add3A_108 : i32
        %get3A_110 = arith.constant 0 : i32
        %get3A_111 = arith.index_cast %get3A_110 : i32 to index
        %get3A_112 = arith.index_cast %add3A_109 : i32 to index
        %get3A_113 = tpu.vector_load %arg6[%get3A_111, %get3A_112] {strides = array<i32>} : memref<2x512xi32, #tpu.memory_space<vmem>>, vector<1x16xi32>,
        %get3A_114 = vector.shape_cast %get3A_113 : vector<1x16xi32> to vector<16xi32>
        %swap3A_115 = arith.index_cast %add3A_109 : i32 to index
        %swap3A_116 = tpu.vector_load %arg8[%swap3A_115] {strides = array<i32>} : memref<512xi32, #tpu.memory_space<vmem>>, vector<16xi32>,
        %swap3A_117 = vector.shape_cast %swap3A_116 : vector<16xi32> to vector<16xi32>
        %swap3A_118 = vector.shape_cast %get3A_114 : vector<16xi32> to vector<16xi32>
        tpu.vector_store %arg8[%swap3A_115], %swap3A_118 {strides = array<i32>} : memref<512xi32, #tpu.memory_space<vmem>>, vector<16xi32>,
        %mul3A_119 = arith.constant 128 : i32
        %mul3A_120 = arith.muli %scan3A_55, %mul3A_119 : i32
        %add3A_121 = arith.constant 80 : i32
        %add3A_122 = arith.addi %mul3A_120, %add3A_121 : i32
        %get3A_123 = arith.constant 0 : i32
        %get3A_124 = arith.index_cast %get3A_123 : i32 to index
        %get3A_125 = arith.index_cast %add3A_122 : i32 to index
        %get3A_126 = tpu.vector_load %arg6[%get3A_124, %get3A_125] {strides = array<i32>} : memref<2x512xi32, #tpu.memory_space<vmem>>, vector<1x16xi32>,
        %get3A_127 = vector.shape_cast %get3A_126 : vector<1x16xi32> to vector<16xi32>
        %swap3A_128 = arith.index_cast %add3A_122 : i32 to index
        %swap3A_129 = tpu.vector_load %arg8[%swap3A_128] {strides = array<i32>} : memref<512xi32, #tpu.memory_space<vmem>>, vector<16xi32>,
        %swap3A_130 = vector.shape_cast %swap3A_129 : vector<16xi32> to vector<16xi32>
        %swap3A_131 = vector.shape_cast %get3A_127 : vector<16xi32> to vector<16xi32>
        tpu.vector_store %arg8[%swap3A_128], %swap3A_131 {strides = array<i32>} : memref<512xi32, #tpu.memory_space<vmem>>, vector<16xi32>,
        %mul3A_132 = arith.constant 128 : i32
        %mul3A_133 = arith.muli %scan3A_55, %mul3A_132 : i32
        %add3A_134 = arith.constant 96 : i32
        %add3A_135 = arith.addi %mul3A_133, %add3A_134 : i32
        %get3A_136 = arith.constant 0 : i32
        %get3A_137 = arith.index_cast %get3A_136 : i32 to index
        %get3A_138 = arith.index_cast %add3A_135 : i32 to index
        %get3A_139 = tpu.vector_load %arg6[%get3A_137, %get3A_138] {strides = array<i32>} : memref<2x512xi32, #tpu.memory_space<vmem>>, vector<1x16xi32>,
        %get3A_140 = vector.shape_cast %get3A_139 : vector<1x16xi32> to vector<16xi32>
        %swap3A_141 = arith.index_cast %add3A_135 : i32 to index
        %swap3A_142 = tpu.vector_load %arg8[%swap3A_141] {strides = array<i32>} : memref<512xi32, #tpu.memory_space<vmem>>, vector<16xi32>,
        %swap3A_143 = vector.shape_cast %swap3A_142 : vector<16xi32> to vector<16xi32>
        %swap3A_144 = vector.shape_cast %get3A_140 : vector<16xi32> to vector<16xi32>
        tpu.vector_store %arg8[%swap3A_141], %swap3A_144 {strides = array<i32>} : memref<512xi32, #tpu.memory_space<vmem>>, vector<16xi32>,
        %mul3A_145 = arith.constant 128 : i32
        %mul3A_146 = arith.muli %scan3A_55, %mul3A_145 : i32
        %add3A_147 = arith.constant 112 : i32
        %add3A_148 = arith.addi %mul3A_146, %add3A_147 : i32
        %get3A_149 = arith.constant 0 : i32
        %get3A_150 = arith.index_cast %get3A_149 : i32 to index
        %get3A_151 = arith.index_cast %add3A_148 : i32 to index
        %get3A_152 = tpu.vector_load %arg6[%get3A_150, %get3A_151] {strides = array<i32>} : memref<2x512xi32, #tpu.memory_space<vmem>>, vector<1x16xi32>,
        %get3A_153 = vector.shape_cast %get3A_152 : vector<1x16xi32> to vector<16xi32>
        %swap3A_154 = arith.index_cast %add3A_148 : i32 to index
        %swap3A_155 = tpu.vector_load %arg8[%swap3A_154] {strides = array<i32>} : memref<512xi32, #tpu.memory_space<vmem>>, vector<16xi32>,
        %swap3A_156 = vector.shape_cast %swap3A_155 : vector<16xi32> to vector<16xi32>
        %swap3A_157 = vector.shape_cast %get3A_153 : vector<16xi32> to vector<16xi32>
        tpu.vector_store %arg8[%swap3A_154], %swap3A_157 {strides = array<i32>} : memref<512xi32, #tpu.memory_space<vmem>>, vector<16xi32>,
      }
      %scan3A_48 = arith.constant 4 : i32
      "tpu.region"() ({
        %run_scoped3A = tpu.sem_alloc : memref<!tpu.dma_semaphore, #tpu.memory_space<semaphore_mem>>
        %dma_start3A = arith.constant 319488 : i32
        %dma_start3A_55 = tpu.memref_slice %arg4[%dma_start3A] : memref<640000xi32, #tpu.memory_space<hbm>> -> memref<512xi32, #tpu.memory_space<hbm>>
        %dma_start3A_56 = arith.constant 319488 : i32
        %dma_start3A_57 = tpu.memref_slice %arg4[%dma_start3A_56] : memref<640000xi32, #tpu.memory_space<hbm>> -> memref<512xi32, #tpu.memory_space<hbm>>
        tpu.enqueue_dma source(%arg8 : memref<512xi32, #tpu.memory_space<vmem>>) target(%dma_start3A_57 : memref<512xi32, #tpu.memory_space<hbm>>) target_semaphore(%run_scoped3A : memref<!tpu.dma_semaphore, #tpu.memory_space<semaphore_mem>>)
        %dma_wait3A = arith.constant 319488 : i32
        %dma_wait3A_58 = tpu.memref_slice %arg4[%dma_wait3A] : memref<640000xi32, #tpu.memory_space<hbm>> -> memref<512xi32, #tpu.memory_space<hbm>>
        %dma_wait3A_59 = arith.constant 319488 : i32
        %dma_wait3A_60 = tpu.memref_slice %arg4[%dma_wait3A_59] : memref<640000xi32, #tpu.memory_space<hbm>> -> memref<512xi32, #tpu.memory_space<hbm>>
        tpu.wait_dma2 semaphore(%run_scoped3A : memref<!tpu.dma_semaphore, #tpu.memory_space<semaphore_mem>>) src(%arg8 : memref<512xi32, #tpu.memory_space<vmem>>) dst(%dma_wait3A_60 : memref<512xi32, #tpu.memory_space<hbm>>)
        tpu.yield
      }) : () -> ()
      "tpu.region"() ({
        %run_scoped3A = tpu.sem_alloc : memref<!tpu.dma_semaphore, #tpu.memory_space<semaphore_mem>>
        %dma_start3A = arith.constant 0 : i32
        %dma_start3A_55 = tpu.memref_slice %arg9[%dma_start3A] : memref<9984xf32, #tpu.memory_space<vmem>> -> memref<512xf32, #tpu.memory_space<vmem>>
        %dma_start3A_56 = arith.constant 0 : i32
        %dma_start3A_57 = tpu.memref_slice %arg11[%dma_start3A_56] : memref<10000xf32, #tpu.memory_space<vmem_shared>> -> memref<10000xf32, #tpu.memory_space<vmem_shared>>
        tpu.enqueue_indirect_dma source(%dma_start3A_55 : memref<512xf32, #tpu.memory_space<vmem>>) target(%dma_start3A_57 : memref<10000xf32, #tpu.memory_space<vmem_shared>>) offsets(%arg8 : memref<512xi32, #tpu.memory_space<vmem>>) semaphore(%run_scoped3A : memref<!tpu.dma_semaphore, #tpu.memory_space<semaphore_mem>>) {add = true}
        %dma_wait3A = arith.constant 0 : i32
        %dma_wait3A_58 = tpu.memref_slice %arg9[%dma_wait3A] : memref<9984xf32, #tpu.memory_space<vmem>> -> memref<512xf32, #tpu.memory_space<vmem>>
        %dma_wait3A_59 = arith.constant 0 : i32
        %dma_wait3A_60 = tpu.memref_slice %arg11[%dma_wait3A_59] : memref<10000xf32, #tpu.memory_space<vmem_shared>> -> memref<10000xf32, #tpu.memory_space<vmem_shared>>
        tpu.wait_indirect_dma semaphore(%run_scoped3A : memref<!tpu.dma_semaphore, #tpu.memory_space<semaphore_mem>>) src(%dma_wait3A_58 : memref<512xf32, #tpu.memory_space<vmem>>) dst(%dma_wait3A_60 : memref<10000xf32, #tpu.memory_space<vmem_shared>>)
        tpu.yield
      }) : () -> ()
      %scan3A_49 = arith.constant 0 : i32
      %scan3A_50 = arith.constant 0 : i32
      %scan3A_51 = arith.constant 4 : i32
      %scan3A_52 = arith.addi %scan3A_50, %scan3A_51 : i32
      %scan3A_53 = arith.constant 1 : i32
      scf.for %scan3A_55 = %scan3A_50 to %scan3A_52 step %scan3A_53  : i32 {
        %mul3A_56 = arith.constant 128 : i32
        %mul3A_57 = arith.muli %scan3A_55, %mul3A_56 : i32
        %add3A_58 = arith.constant 0 : i32
        %add3A_59 = arith.addi %mul3A_57, %add3A_58 : i32
        %get3A = arith.constant 1 : i32
        %get3A_60 = arith.index_cast %get3A : i32 to index
        %get3A_61 = arith.index_cast %add3A_59 : i32 to index
        %get3A_62 = tpu.vector_load %arg6[%get3A_60, %get3A_61] {strides = array<i32>} : memref<2x512xi32, #tpu.memory_space<vmem>>, vector<1x16xi32>,
        %get3A_63 = vector.shape_cast %get3A_62 : vector<1x16xi32> to vector<16xi32>
        %swap3A = arith.index_cast %add3A_59 : i32 to index
        %swap3A_64 = tpu.vector_load %arg8[%swap3A] {strides = array<i32>} : memref<512xi32, #tpu.memory_space<vmem>>, vector<16xi32>,
        %swap3A_65 = vector.shape_cast %swap3A_64 : vector<16xi32> to vector<16xi32>
        %swap3A_66 = vector.shape_cast %get3A_63 : vector<16xi32> to vector<16xi32>
        tpu.vector_store %arg8[%swap3A], %swap3A_66 {strides = array<i32>} : memref<512xi32, #tpu.memory_space<vmem>>, vector<16xi32>,
        %mul3A_67 = arith.constant 128 : i32
        %mul3A_68 = arith.muli %scan3A_55, %mul3A_67 : i32
        %add3A_69 = arith.constant 16 : i32
        %add3A_70 = arith.addi %mul3A_68, %add3A_69 : i32
        %get3A_71 = arith.constant 1 : i32
        %get3A_72 = arith.index_cast %get3A_71 : i32 to index
        %get3A_73 = arith.index_cast %add3A_70 : i32 to index
        %get3A_74 = tpu.vector_load %arg6[%get3A_72, %get3A_73] {strides = array<i32>} : memref<2x512xi32, #tpu.memory_space<vmem>>, vector<1x16xi32>,
        %get3A_75 = vector.shape_cast %get3A_74 : vector<1x16xi32> to vector<16xi32>
        %swap3A_76 = arith.index_cast %add3A_70 : i32 to index
        %swap3A_77 = tpu.vector_load %arg8[%swap3A_76] {strides = array<i32>} : memref<512xi32, #tpu.memory_space<vmem>>, vector<16xi32>,
        %swap3A_78 = vector.shape_cast %swap3A_77 : vector<16xi32> to vector<16xi32>
        %swap3A_79 = vector.shape_cast %get3A_75 : vector<16xi32> to vector<16xi32>
        tpu.vector_store %arg8[%swap3A_76], %swap3A_79 {strides = array<i32>} : memref<512xi32, #tpu.memory_space<vmem>>, vector<16xi32>,
        %mul3A_80 = arith.constant 128 : i32
        %mul3A_81 = arith.muli %scan3A_55, %mul3A_80 : i32
        %add3A_82 = arith.constant 32 : i32
        %add3A_83 = arith.addi %mul3A_81, %add3A_82 : i32
        %get3A_84 = arith.constant 1 : i32
        %get3A_85 = arith.index_cast %get3A_84 : i32 to index
        %get3A_86 = arith.index_cast %add3A_83 : i32 to index
        %get3A_87 = tpu.vector_load %arg6[%get3A_85, %get3A_86] {strides = array<i32>} : memref<2x512xi32, #tpu.memory_space<vmem>>, vector<1x16xi32>,
        %get3A_88 = vector.shape_cast %get3A_87 : vector<1x16xi32> to vector<16xi32>
        %swap3A_89 = arith.index_cast %add3A_83 : i32 to index
        %swap3A_90 = tpu.vector_load %arg8[%swap3A_89] {strides = array<i32>} : memref<512xi32, #tpu.memory_space<vmem>>, vector<16xi32>,
        %swap3A_91 = vector.shape_cast %swap3A_90 : vector<16xi32> to vector<16xi32>
        %swap3A_92 = vector.shape_cast %get3A_88 : vector<16xi32> to vector<16xi32>
        tpu.vector_store %arg8[%swap3A_89], %swap3A_92 {strides = array<i32>} : memref<512xi32, #tpu.memory_space<vmem>>, vector<16xi32>,
        %mul3A_93 = arith.constant 128 : i32
        %mul3A_94 = arith.muli %scan3A_55, %mul3A_93 : i32
        %add3A_95 = arith.constant 48 : i32
        %add3A_96 = arith.addi %mul3A_94, %add3A_95 : i32
        %get3A_97 = arith.constant 1 : i32
        %get3A_98 = arith.index_cast %get3A_97 : i32 to index
        %get3A_99 = arith.index_cast %add3A_96 : i32 to index
        %get3A_100 = tpu.vector_load %arg6[%get3A_98, %get3A_99] {strides = array<i32>} : memref<2x512xi32, #tpu.memory_space<vmem>>, vector<1x16xi32>,
        %get3A_101 = vector.shape_cast %get3A_100 : vector<1x16xi32> to vector<16xi32>
        %swap3A_102 = arith.index_cast %add3A_96 : i32 to index
        %swap3A_103 = tpu.vector_load %arg8[%swap3A_102] {strides = array<i32>} : memref<512xi32, #tpu.memory_space<vmem>>, vector<16xi32>,
        %swap3A_104 = vector.shape_cast %swap3A_103 : vector<16xi32> to vector<16xi32>
        %swap3A_105 = vector.shape_cast %get3A_101 : vector<16xi32> to vector<16xi32>
        tpu.vector_store %arg8[%swap3A_102], %swap3A_105 {strides = array<i32>} : memref<512xi32, #tpu.memory_space<vmem>>, vector<16xi32>,
        %mul3A_106 = arith.constant 128 : i32
        %mul3A_107 = arith.muli %scan3A_55, %mul3A_106 : i32
        %add3A_108 = arith.constant 64 : i32
        %add3A_109 = arith.addi %mul3A_107, %add3A_108 : i32
        %get3A_110 = arith.constant 1 : i32
        %get3A_111 = arith.index_cast %get3A_110 : i32 to index
        %get3A_112 = arith.index_cast %add3A_109 : i32 to index
        %get3A_113 = tpu.vector_load %arg6[%get3A_111, %get3A_112] {strides = array<i32>} : memref<2x512xi32, #tpu.memory_space<vmem>>, vector<1x16xi32>,
        %get3A_114 = vector.shape_cast %get3A_113 : vector<1x16xi32> to vector<16xi32>
        %swap3A_115 = arith.index_cast %add3A_109 : i32 to index
        %swap3A_116 = tpu.vector_load %arg8[%swap3A_115] {strides = array<i32>} : memref<512xi32, #tpu.memory_space<vmem>>, vector<16xi32>,
        %swap3A_117 = vector.shape_cast %swap3A_116 : vector<16xi32> to vector<16xi32>
        %swap3A_118 = vector.shape_cast %get3A_114 : vector<16xi32> to vector<16xi32>
        tpu.vector_store %arg8[%swap3A_115], %swap3A_118 {strides = array<i32>} : memref<512xi32, #tpu.memory_space<vmem>>, vector<16xi32>,
        %mul3A_119 = arith.constant 128 : i32
        %mul3A_120 = arith.muli %scan3A_55, %mul3A_119 : i32
        %add3A_121 = arith.constant 80 : i32
        %add3A_122 = arith.addi %mul3A_120, %add3A_121 : i32
        %get3A_123 = arith.constant 1 : i32
        %get3A_124 = arith.index_cast %get3A_123 : i32 to index
        %get3A_125 = arith.index_cast %add3A_122 : i32 to index
        %get3A_126 = tpu.vector_load %arg6[%get3A_124, %get3A_125] {strides = array<i32>} : memref<2x512xi32, #tpu.memory_space<vmem>>, vector<1x16xi32>,
        %get3A_127 = vector.shape_cast %get3A_126 : vector<1x16xi32> to vector<16xi32>
        %swap3A_128 = arith.index_cast %add3A_122 : i32 to index
        %swap3A_129 = tpu.vector_load %arg8[%swap3A_128] {strides = array<i32>} : memref<512xi32, #tpu.memory_space<vmem>>, vector<16xi32>,
        %swap3A_130 = vector.shape_cast %swap3A_129 : vector<16xi32> to vector<16xi32>
        %swap3A_131 = vector.shape_cast %get3A_127 : vector<16xi32> to vector<16xi32>
        tpu.vector_store %arg8[%swap3A_128], %swap3A_131 {strides = array<i32>} : memref<512xi32, #tpu.memory_space<vmem>>, vector<16xi32>,
        %mul3A_132 = arith.constant 128 : i32
        %mul3A_133 = arith.muli %scan3A_55, %mul3A_132 : i32
        %add3A_134 = arith.constant 96 : i32
        %add3A_135 = arith.addi %mul3A_133, %add3A_134 : i32
        %get3A_136 = arith.constant 1 : i32
        %get3A_137 = arith.index_cast %get3A_136 : i32 to index
        %get3A_138 = arith.index_cast %add3A_135 : i32 to index
        %get3A_139 = tpu.vector_load %arg6[%get3A_137, %get3A_138] {strides = array<i32>} : memref<2x512xi32, #tpu.memory_space<vmem>>, vector<1x16xi32>,
        %get3A_140 = vector.shape_cast %get3A_139 : vector<1x16xi32> to vector<16xi32>
        %swap3A_141 = arith.index_cast %add3A_135 : i32 to index
        %swap3A_142 = tpu.vector_load %arg8[%swap3A_141] {strides = array<i32>} : memref<512xi32, #tpu.memory_space<vmem>>, vector<16xi32>,
        %swap3A_143 = vector.shape_cast %swap3A_142 : vector<16xi32> to vector<16xi32>
        %swap3A_144 = vector.shape_cast %get3A_140 : vector<16xi32> to vector<16xi32>
        tpu.vector_store %arg8[%swap3A_141], %swap3A_144 {strides = array<i32>} : memref<512xi32, #tpu.memory_space<vmem>>, vector<16xi32>,
        %mul3A_145 = arith.constant 128 : i32
        %mul3A_146 = arith.muli %scan3A_55, %mul3A_145 : i32
        %add3A_147 = arith.constant 112 : i32
        %add3A_148 = arith.addi %mul3A_146, %add3A_147 : i32
        %get3A_149 = arith.constant 1 : i32
        %get3A_150 = arith.index_cast %get3A_149 : i32 to index
        %get3A_151 = arith.index_cast %add3A_148 : i32 to index
        %get3A_152 = tpu.vector_load %arg6[%get3A_150, %get3A_151] {strides = array<i32>} : memref<2x512xi32, #tpu.memory_space<vmem>>, vector<1x16xi32>,
        %get3A_153 = vector.shape_cast %get3A_152 : vector<1x16xi32> to vector<16xi32>
        %swap3A_154 = arith.index_cast %add3A_148 : i32 to index
        %swap3A_155 = tpu.vector_load %arg8[%swap3A_154] {strides = array<i32>} : memref<512xi32, #tpu.memory_space<vmem>>, vector<16xi32>,
        %swap3A_156 = vector.shape_cast %swap3A_155 : vector<16xi32> to vector<16xi32>
        %swap3A_157 = vector.shape_cast %get3A_153 : vector<16xi32> to vector<16xi32>
        tpu.vector_store %arg8[%swap3A_154], %swap3A_157 {strides = array<i32>} : memref<512xi32, #tpu.memory_space<vmem>>, vector<16xi32>,
      }
      %scan3A_54 = arith.constant 4 : i32
      "tpu.region"() ({
        %run_scoped3A = tpu.sem_alloc : memref<!tpu.dma_semaphore, #tpu.memory_space<semaphore_mem>>
        %dma_start3A = arith.constant 639488 : i32
        %dma_start3A_55 = tpu.memref_slice %arg4[%dma_start3A] : memref<640000xi32, #tpu.memory_space<hbm>> -> memref<512xi32, #tpu.memory_space<hbm>>
        %dma_start3A_56 = arith.constant 639488 : i32
        %dma_start3A_57 = tpu.memref_slice %arg4[%dma_start3A_56] : memref<640000xi32, #tpu.memory_space<hbm>> -> memref<512xi32, #tpu.memory_space<hbm>>
        tpu.enqueue_dma source(%arg8 : memref<512xi32, #tpu.memory_space<vmem>>) target(%dma_start3A_57 : memref<512xi32, #tpu.memory_space<hbm>>) target_semaphore(%run_scoped3A : memref<!tpu.dma_semaphore, #tpu.memory_space<semaphore_mem>>)
        %dma_wait3A = arith.constant 639488 : i32
        %dma_wait3A_58 = tpu.memref_slice %arg4[%dma_wait3A] : memref<640000xi32, #tpu.memory_space<hbm>> -> memref<512xi32, #tpu.memory_space<hbm>>
        %dma_wait3A_59 = arith.constant 639488 : i32
        %dma_wait3A_60 = tpu.memref_slice %arg4[%dma_wait3A_59] : memref<640000xi32, #tpu.memory_space<hbm>> -> memref<512xi32, #tpu.memory_space<hbm>>
        tpu.wait_dma2 semaphore(%run_scoped3A : memref<!tpu.dma_semaphore, #tpu.memory_space<semaphore_mem>>) src(%arg8 : memref<512xi32, #tpu.memory_space<vmem>>) dst(%dma_wait3A_60 : memref<512xi32, #tpu.memory_space<hbm>>)
        tpu.yield
      }) : () -> ()
      "tpu.region"() ({
        %run_scoped3A = tpu.sem_alloc : memref<!tpu.dma_semaphore, #tpu.memory_space<semaphore_mem>>
        %dma_start3A = arith.constant 0 : i32
        %dma_start3A_55 = tpu.memref_slice %arg9[%dma_start3A] : memref<9984xf32, #tpu.memory_space<vmem>> -> memref<512xf32, #tpu.memory_space<vmem>>
        %dma_start3A_56 = arith.constant 0 : i32
        %dma_start3A_57 = tpu.memref_slice %arg11[%dma_start3A_56] : memref<10000xf32, #tpu.memory_space<vmem_shared>> -> memref<10000xf32, #tpu.memory_space<vmem_shared>>
        tpu.enqueue_indirect_dma source(%dma_start3A_55 : memref<512xf32, #tpu.memory_space<vmem>>) target(%dma_start3A_57 : memref<10000xf32, #tpu.memory_space<vmem_shared>>) offsets(%arg8 : memref<512xi32, #tpu.memory_space<vmem>>) semaphore(%run_scoped3A : memref<!tpu.dma_semaphore, #tpu.memory_space<semaphore_mem>>) {add = true}
        %dma_wait3A = arith.constant 0 : i32
        %dma_wait3A_58 = tpu.memref_slice %arg9[%dma_wait3A] : memref<9984xf32, #tpu.memory_space<vmem>> -> memref<512xf32, #tpu.memory_space<vmem>>
        %dma_wait3A_59 = arith.constant 0 : i32
        %dma_wait3A_60 = tpu.memref_slice %arg11[%dma_wait3A_59] : memref<10000xf32, #tpu.memory_space<vmem_shared>> -> memref<10000xf32, #tpu.memory_space<vmem_shared>>
        tpu.wait_indirect_dma semaphore(%run_scoped3A : memref<!tpu.dma_semaphore, #tpu.memory_space<semaphore_mem>>) src(%dma_wait3A_58 : memref<512xf32, #tpu.memory_space<vmem>>) dst(%dma_wait3A_60 : memref<10000xf32, #tpu.memory_space<vmem_shared>>)
        tpu.yield
      }) : () -> ()
    } else {
    }
    %barrier3A_37 = arith.constant 0 : index
    tpu.barrier barrier_id(%barrier3A_37)
    %eq3A_38 = arith.constant 0 : i32
    %eq3A_39 = arith.cmpi eq, %arg1, %eq3A_38 : i32
    %convert_element_type3A_40 = arith.extui %eq3A_39 : i1 to i32
    %cond3A_41 = arith.constant 0 : i32
    %cond3A_42 = arith.cmpi ne, %convert_element_type3A_40, %cond3A_41 : i32
    scf.if %cond3A_42 {
      "tpu.region"() ({
        %run_scoped3A = tpu.sem_alloc : memref<!tpu.dma_semaphore, #tpu.memory_space<semaphore_mem>>
        %dma_start3A = arith.constant 0 : i32
        %dma_start3A_43 = tpu.memref_slice %arg3[%arg0, %dma_start3A] : memref<2x10000xf32, #tpu.memory_space<hbm>> -> memref<1x10000xf32, #tpu.memory_space<hbm>>
        %dma_start3A_44 = tpu.memref_squeeze %dma_start3A_43 : memref<1x10000xf32, #tpu.memory_space<hbm>> -> memref<10000xf32, #tpu.memory_space<hbm>>
        tpu.enqueue_dma source(%arg11 : memref<10000xf32, #tpu.memory_space<vmem_shared>>) target(%dma_start3A_44 : memref<10000xf32, #tpu.memory_space<hbm>>) target_semaphore(%run_scoped3A : memref<!tpu.dma_semaphore, #tpu.memory_space<semaphore_mem>>)
        %dma_wait3A = arith.constant 0 : i32
        %dma_wait3A_45 = tpu.memref_slice %arg3[%arg0, %dma_wait3A] : memref<2x10000xf32, #tpu.memory_space<hbm>> -> memref<1x10000xf32, #tpu.memory_space<hbm>>
        %dma_wait3A_46 = tpu.memref_squeeze %dma_wait3A_45 : memref<1x10000xf32, #tpu.memory_space<hbm>> -> memref<10000xf32, #tpu.memory_space<hbm>>
        tpu.wait_dma2 semaphore(%run_scoped3A : memref<!tpu.dma_semaphore, #tpu.memory_space<semaphore_mem>>) src(%arg11 : memref<10000xf32, #tpu.memory_space<vmem_shared>>) dst(%dma_wait3A_46 : memref<10000xf32, #tpu.memory_space<hbm>>)
        tpu.yield
      }) : () -> ()
    } else {
    }
    return
  }
}

module attributes {stable_mosaic.version = 14 : i64} {
  func.func @_node_mlp_body(%arg0: memref<10000x128xf32, #tpu.memory_space<vmem>>, %arg1: memref<2x10000xf32, #tpu.memory_space<vmem>>, %arg2: memref<1x10000xf32, #tpu.memory_space<vmem>>, %arg3: memref<64x128xf32, #tpu.memory_space<vmem>>, %arg4: memref<64x1xf32, #tpu.memory_space<vmem>>, %arg5: memref<64x1xf32, #tpu.memory_space<vmem>>, %arg6: memref<64x1xf32, #tpu.memory_space<vmem>>, %arg7: memref<64x64xf32, #tpu.memory_space<vmem>>, %arg8: memref<64x1xf32, #tpu.memory_space<vmem>>, %arg9: memref<1x64xf32, #tpu.memory_space<vmem>>, %arg10: memref<1x1xf32, #tpu.memory_space<vmem>>, %arg11: memref<1x10000xf32, #tpu.memory_space<vmem>>) attributes {dimension_semantics = [], scalar_prefetch = 0 : i64, scratch_operands = 0 : i64, tpu.core_type = #tpu.core_type<tc>} {
    %get3A = arith.constant 0 : index
    %get3A_0 = arith.constant 0 : index
    %get3A_1 = vector.load %arg1[%get3A, %get3A_0] : memref<2x10000xf32, #tpu.memory_space<vmem>>, vector<2x10000xf32>
    %slice3A = vector.extract_strided_slice %get3A_1 {offsets = [0, 0], sizes = [1, 10000], strides = [1, 1]} : vector<2x10000xf32> to vector<1x10000xf32>
    %slice3A_2 = vector.extract_strided_slice %get3A_1 {offsets = [1, 0], sizes = [1, 10000], strides = [1, 1]} : vector<2x10000xf32> to vector<1x10000xf32>
    %add3A = arith.addf %slice3A, %slice3A_2 : vector<1x10000xf32>
    %reduce_max3A = vector.shape_cast %add3A : vector<1x10000xf32> to vector<1x1x10000xf32>
    %reduce_max3A_3 = arith.constant dense<0xFF800000> : vector<1xf32>
    %reduce_max3A_4 = vector.multi_reduction <maximumf>, %reduce_max3A, %reduce_max3A_3 [1, 2] : vector<1x1x10000xf32> to vector<1xf32>
    %reduce_max3A_5 = vector.shape_cast %reduce_max3A_4 : vector<1xf32> to vector<1x1x1xf32>
    %reduce_max3A_6 = vector.extract %reduce_max3A_5[0, 0, 0] : f32 from vector<1x1x1xf32>
    %add3A_7 = arith.constant 1.000000e-10 : f32
    %add3A_8 = arith.addf %reduce_max3A_6, %add3A_7 : f32
    %div3A = vector.broadcast %add3A_8 : f32 to vector<1x10000xf32>
    %div3A_9 = arith.divf %add3A, %div3A : vector<1x10000xf32>
    %get3A_10 = arith.constant 0 : index
    %get3A_11 = arith.constant 0 : index
    %get3A_12 = vector.load %arg3[%get3A_10, %get3A_11] : memref<64x128xf32, #tpu.memory_space<vmem>>, vector<64x128xf32>
    %convert_element_type3A = arith.truncf %get3A_12 : vector<64x128xf32> to vector<64x128xbf16>
    %get3A_13 = arith.constant 0 : index
    %get3A_14 = arith.constant 0 : index
    %get3A_15 = vector.load %arg0[%get3A_13, %get3A_14] : memref<10000x128xf32, #tpu.memory_space<vmem>>, vector<10000x128xf32>
    %convert_element_type3A_16 = arith.truncf %get3A_15 : vector<10000x128xf32> to vector<10000x128xbf16>
    %dot_general3A = arith.constant dense<0.000000e+00> : vector<64x10000xf32>
    %dot_general3A_17 = tpu.matmul %convert_element_type3A, %convert_element_type3A_16, %dot_general3A {dimension_numbers = #tpu.dot_dimension_numbers<[1], [1], [0], [0], [0, 0, 1, 0], [], []>, transpose_lhs_hint = false} : vector<64x128xbf16>, vector<10000x128xbf16>, vector<64x10000xf32> -> vector<64x10000xf32>
    %get3A_18 = arith.constant 0 : index
    %get3A_19 = arith.constant 0 : index
    %get3A_20 = vector.load %arg4[%get3A_18, %get3A_19] : memref<64x1xf32, #tpu.memory_space<vmem>>, vector<64x1xf32>
    %mul3A = vector.broadcast %get3A_20 : vector<64x1xf32> to vector<64x10000xf32>
    %mul3A_21 = vector.broadcast %div3A_9 : vector<1x10000xf32> to vector<64x10000xf32>
    %mul3A_22 = arith.mulf %mul3A, %mul3A_21 : vector<64x10000xf32>
    %add3A_23 = arith.addf %dot_general3A_17, %mul3A_22 : vector<64x10000xf32>
    %get3A_24 = arith.constant 0 : index
    %get3A_25 = arith.constant 0 : index
    %get3A_26 = vector.load %arg5[%get3A_24, %get3A_25] : memref<64x1xf32, #tpu.memory_space<vmem>>, vector<64x1xf32>
    %get3A_27 = arith.constant 0 : index
    %get3A_28 = arith.constant 0 : index
    %get3A_29 = vector.load %arg2[%get3A_27, %get3A_28] : memref<1x10000xf32, #tpu.memory_space<vmem>>, vector<1x10000xf32>
    %mul3A_30 = arith.constant 5.000000e-01 : f32
    %mul3A_31 = vector.broadcast %mul3A_30 : f32 to vector<1x10000xf32>
    %mul3A_32 = arith.mulf %get3A_29, %mul3A_31 : vector<1x10000xf32>
    %mul3A_33 = vector.broadcast %get3A_26 : vector<64x1xf32> to vector<64x10000xf32>
    %mul3A_34 = vector.broadcast %mul3A_32 : vector<1x10000xf32> to vector<64x10000xf32>
    %mul3A_35 = arith.mulf %mul3A_33, %mul3A_34 : vector<64x10000xf32>
    %add3A_36 = arith.addf %add3A_23, %mul3A_35 : vector<64x10000xf32>
    %get3A_37 = arith.constant 0 : index
    %get3A_38 = arith.constant 0 : index
    %get3A_39 = vector.load %arg6[%get3A_37, %get3A_38] : memref<64x1xf32, #tpu.memory_space<vmem>>, vector<64x1xf32>
    %add3A_40 = vector.broadcast %get3A_39 : vector<64x1xf32> to vector<64x10000xf32>
    %add3A_41 = arith.addf %add3A_36, %add3A_40 : vector<64x10000xf32>
    %convert_element_type3A_42 = arith.truncf %add3A_41 : vector<64x10000xf32> to vector<64x10000xbf16>
    %mul3A_43 = arith.constant 7.070310e-01 : bf16
    %mul3A_44 = vector.broadcast %mul3A_43 : bf16 to vector<64x10000xbf16>
    %mul3A_45 = arith.mulf %convert_element_type3A_42, %mul3A_44 : vector<64x10000xbf16>
    %erf3A = math.erf %mul3A_45 : vector<64x10000xbf16>
    %mul3A_46 = arith.mulf %convert_element_type3A_42, %erf3A : vector<64x10000xbf16>
    %add3A_47 = arith.addf %convert_element_type3A_42, %mul3A_46 : vector<64x10000xbf16>
    %get3A_48 = arith.constant 0 : index
    %get3A_49 = arith.constant 0 : index
    %get3A_50 = vector.load %arg7[%get3A_48, %get3A_49] : memref<64x64xf32, #tpu.memory_space<vmem>>, vector<64x64xf32>
    %convert_element_type3A_51 = arith.truncf %get3A_50 : vector<64x64xf32> to vector<64x64xbf16>
    %dot_general3A_52 = arith.constant dense<0.000000e+00> : vector<64x10000xf32>
    %dot_general3A_53 = tpu.matmul %convert_element_type3A_51, %add3A_47, %dot_general3A_52 {dimension_numbers = #tpu.dot_dimension_numbers<[1], [0], [0], [1], [0, 0, 1, 1], [], []>, transpose_lhs_hint = false} : vector<64x64xbf16>, vector<64x10000xbf16>, vector<64x10000xf32> -> vector<64x10000xf32>
    %get3A_54 = arith.constant 0 : index
    %get3A_55 = arith.constant 0 : index
    %get3A_56 = vector.load %arg8[%get3A_54, %get3A_55] : memref<64x1xf32, #tpu.memory_space<vmem>>, vector<64x1xf32>
    %add3A_57 = vector.broadcast %get3A_56 : vector<64x1xf32> to vector<64x10000xf32>
    %add3A_58 = arith.addf %dot_general3A_53, %add3A_57 : vector<64x10000xf32>
    %convert_element_type3A_59 = arith.truncf %add3A_58 : vector<64x10000xf32> to vector<64x10000xbf16>
    %mul3A_60 = arith.constant 7.070310e-01 : bf16
    %mul3A_61 = vector.broadcast %mul3A_60 : bf16 to vector<64x10000xbf16>
    %mul3A_62 = arith.mulf %convert_element_type3A_59, %mul3A_61 : vector<64x10000xbf16>
    %erf3A_63 = math.erf %mul3A_62 : vector<64x10000xbf16>
    %mul3A_64 = arith.mulf %convert_element_type3A_59, %erf3A_63 : vector<64x10000xbf16>
    %add3A_65 = arith.addf %convert_element_type3A_59, %mul3A_64 : vector<64x10000xbf16>
    %get3A_66 = arith.constant 0 : index
    %get3A_67 = arith.constant 0 : index
    %get3A_68 = vector.load %arg9[%get3A_66, %get3A_67] : memref<1x64xf32, #tpu.memory_space<vmem>>, vector<1x64xf32>
    %convert_element_type3A_69 = arith.truncf %get3A_68 : vector<1x64xf32> to vector<1x64xbf16>
    %dot_general3A_70 = arith.constant dense<0.000000e+00> : vector<1x10000xf32>
    %dot_general3A_71 = tpu.matmul %convert_element_type3A_69, %add3A_65, %dot_general3A_70 {dimension_numbers = #tpu.dot_dimension_numbers<[1], [0], [0], [1], [0, 0, 1, 1], [], []>, transpose_lhs_hint = false} : vector<1x64xbf16>, vector<64x10000xbf16>, vector<1x10000xf32> -> vector<1x10000xf32>
    %get3A_72 = arith.constant 0 : index
    %get3A_73 = arith.constant 0 : index
    %get3A_74 = vector.load %arg10[%get3A_72, %get3A_73] : memref<1x1xf32, #tpu.memory_space<vmem>>, vector<1x1xf32>
    %add3A_75 = vector.broadcast %get3A_74 : vector<1x1xf32> to vector<1x10000xf32>
    %add3A_76 = arith.addf %dot_general3A_71, %add3A_75 : vector<1x10000xf32>
    %neg3A = arith.constant 0.000000e+00 : f32
    %neg3A_77 = vector.broadcast %neg3A : f32 to vector<1x10000xf32>
    %neg3A_78 = arith.subf %neg3A_77, %add3A_76 : vector<1x10000xf32>
    %exp3A = math.exp %neg3A_78 : vector<1x10000xf32>
    %add3A_79 = arith.constant 1.000000e+00 : f32
    %add3A_80 = vector.broadcast %add3A_79 : f32 to vector<1x10000xf32>
    %add3A_81 = arith.addf %add3A_80, %exp3A : vector<1x10000xf32>
    %div3A_82 = arith.constant 1.000000e+00 : f32
    %div3A_83 = vector.broadcast %div3A_82 : f32 to vector<1x10000xf32>
    %div3A_84 = arith.divf %div3A_83, %add3A_81 : vector<1x10000xf32>
    %swap3A = arith.constant 0 : index
    %swap3A_85 = arith.constant 0 : index
    %swap3A_86 = vector.load %arg11[%swap3A, %swap3A_85] : memref<1x10000xf32, #tpu.memory_space<vmem>>, vector<1x10000xf32>
    tpu.vector_store %arg11[%swap3A, %swap3A_85], %div3A_84 {strides = array<i32>} : memref<1x10000xf32, #tpu.memory_space<vmem>>, vector<1x10000xf32>,
    return
  }
}

module attributes {stable_mosaic.version = 14 : i64} {
  func.func @_edge_mlp_body(%arg0: i32, %arg1: memref<16x12800xbf16, #tpu.memory_space<vmem>>, %arg2: memref<2x12800xf32, #tpu.memory_space<vmem>>, %arg3: memref<64x16xf32, #tpu.memory_space<vmem>>, %arg4: memref<64x2xf32, #tpu.memory_space<vmem>>, %arg5: memref<64x1xf32, #tpu.memory_space<vmem>>, %arg6: memref<64x64xf32, #tpu.memory_space<vmem>>, %arg7: memref<64x1xf32, #tpu.memory_space<vmem>>, %arg8: memref<1x64xf32, #tpu.memory_space<vmem>>, %arg9: memref<1x1xf32, #tpu.memory_space<vmem>>, %arg10: memref<1x1x12800xf32, #tpu.memory_space<vmem>>) attributes {dimension_semantics = [#tpu.dimension_semantics<arbitrary>], iteration_bounds = array<i64: 25>, scalar_prefetch = 0 : i64, scratch_operands = 0 : i64, tpu.core_type = #tpu.core_type<tc>, window_params = [{transform_indices = @transform_0, window_bounds = array<i64: 16, 12800>}, {transform_indices = @transform_1, window_bounds = array<i64: 2, 12800>}, {pipeline_mode = #tpu.pipeline_mode<synchronous>, transform_indices = @transform_2, window_bounds = array<i64: 64, 16>}, {pipeline_mode = #tpu.pipeline_mode<synchronous>, transform_indices = @transform_3, window_bounds = array<i64: 64, 2>}, {pipeline_mode = #tpu.pipeline_mode<synchronous>, transform_indices = @transform_4, window_bounds = array<i64: 64, 1>}, {pipeline_mode = #tpu.pipeline_mode<synchronous>, transform_indices = @transform_5, window_bounds = array<i64: 64, 64>}, {pipeline_mode = #tpu.pipeline_mode<synchronous>, transform_indices = @transform_6, window_bounds = array<i64: 64, 1>}, {pipeline_mode = #tpu.pipeline_mode<synchronous>, transform_indices = @transform_7, window_bounds = array<i64: 1, 64>}, {pipeline_mode = #tpu.pipeline_mode<synchronous>, transform_indices = @transform_8, window_bounds = array<i64: 1, 1>}, {transform_indices = @transform_9, window_bounds = array<i64: 1, 1, 12800>}]} {
    %get3A = arith.constant 0 : index
    %get3A_0 = arith.constant 0 : index
    %get3A_1 = vector.load %arg1[%get3A, %get3A_0] : memref<16x12800xbf16, #tpu.memory_space<vmem>>, vector<16x12800xbf16>
    %get3A_2 = arith.constant 0 : index
    %get3A_3 = arith.constant 0 : index
    %get3A_4 = vector.load %arg2[%get3A_2, %get3A_3] : memref<2x12800xf32, #tpu.memory_space<vmem>>, vector<2x12800xf32>
    %convert_element_type3A = arith.truncf %get3A_4 : vector<2x12800xf32> to vector<2x12800xbf16>
    %concatenate3A = tpu.concatenate %get3A_1, %convert_element_type3A in 0 : vector<16x12800xbf16>, vector<2x12800xbf16> -> vector<18x12800xbf16>
    %get3A_5 = arith.constant 0 : index
    %get3A_6 = arith.constant 0 : index
    %get3A_7 = vector.load %arg3[%get3A_5, %get3A_6] : memref<64x16xf32, #tpu.memory_space<vmem>>, vector<64x16xf32>
    %get3A_8 = arith.constant 0 : index
    %get3A_9 = arith.constant 0 : index
    %get3A_10 = vector.load %arg4[%get3A_8, %get3A_9] : memref<64x2xf32, #tpu.memory_space<vmem>>, vector<64x2xf32>
    %concatenate3A_11 = tpu.concatenate %get3A_7, %get3A_10 in 1 : vector<64x16xf32>, vector<64x2xf32> -> vector<64x18xf32>
    %convert_element_type3A_12 = arith.truncf %concatenate3A_11 : vector<64x18xf32> to vector<64x18xbf16>
    %dot_general3A = arith.constant dense<0.000000e+00> : vector<64x12800xf32>
    %dot_general3A_13 = tpu.matmul %convert_element_type3A_12, %concatenate3A, %dot_general3A {dimension_numbers = #tpu.dot_dimension_numbers<[1], [0], [0], [1], [0, 0, 1, 1], [], []>, transpose_lhs_hint = false} : vector<64x18xbf16>, vector<18x12800xbf16>, vector<64x12800xf32> -> vector<64x12800xf32>
    %get3A_14 = arith.constant 0 : index
    %get3A_15 = arith.constant 0 : index
    %get3A_16 = vector.load %arg5[%get3A_14, %get3A_15] : memref<64x1xf32, #tpu.memory_space<vmem>>, vector<64x1xf32>
    %add3A = vector.broadcast %get3A_16 : vector<64x1xf32> to vector<64x12800xf32>
    %add3A_17 = arith.addf %dot_general3A_13, %add3A : vector<64x12800xf32>
    %convert_element_type3A_18 = arith.truncf %add3A_17 : vector<64x12800xf32> to vector<64x12800xbf16>
    %mul3A = arith.constant 7.070310e-01 : bf16
    %mul3A_19 = vector.broadcast %mul3A : bf16 to vector<64x12800xbf16>
    %mul3A_20 = arith.mulf %convert_element_type3A_18, %mul3A_19 : vector<64x12800xbf16>
    %erf3A = math.erf %mul3A_20 : vector<64x12800xbf16>
    %mul3A_21 = arith.mulf %convert_element_type3A_18, %erf3A : vector<64x12800xbf16>
    %add3A_22 = arith.addf %convert_element_type3A_18, %mul3A_21 : vector<64x12800xbf16>
    %get3A_23 = arith.constant 0 : index
    %get3A_24 = arith.constant 0 : index
    %get3A_25 = vector.load %arg6[%get3A_23, %get3A_24] : memref<64x64xf32, #tpu.memory_space<vmem>>, vector<64x64xf32>
    %convert_element_type3A_26 = arith.truncf %get3A_25 : vector<64x64xf32> to vector<64x64xbf16>
    %dot_general3A_27 = arith.constant dense<0.000000e+00> : vector<64x12800xf32>
    %dot_general3A_28 = tpu.matmul %convert_element_type3A_26, %add3A_22, %dot_general3A_27 {dimension_numbers = #tpu.dot_dimension_numbers<[1], [0], [0], [1], [0, 0, 1, 1], [], []>, transpose_lhs_hint = false} : vector<64x64xbf16>, vector<64x12800xbf16>, vector<64x12800xf32> -> vector<64x12800xf32>
    %get3A_29 = arith.constant 0 : index
    %get3A_30 = arith.constant 0 : index
    %get3A_31 = vector.load %arg7[%get3A_29, %get3A_30] : memref<64x1xf32, #tpu.memory_space<vmem>>, vector<64x1xf32>
    %add3A_32 = vector.broadcast %get3A_31 : vector<64x1xf32> to vector<64x12800xf32>
    %add3A_33 = arith.addf %dot_general3A_28, %add3A_32 : vector<64x12800xf32>
    %convert_element_type3A_34 = arith.truncf %add3A_33 : vector<64x12800xf32> to vector<64x12800xbf16>
    %mul3A_35 = arith.constant 7.070310e-01 : bf16
    %mul3A_36 = vector.broadcast %mul3A_35 : bf16 to vector<64x12800xbf16>
    %mul3A_37 = arith.mulf %convert_element_type3A_34, %mul3A_36 : vector<64x12800xbf16>
    %erf3A_38 = math.erf %mul3A_37 : vector<64x12800xbf16>
    %mul3A_39 = arith.mulf %convert_element_type3A_34, %erf3A_38 : vector<64x12800xbf16>
    %add3A_40 = arith.addf %convert_element_type3A_34, %mul3A_39 : vector<64x12800xbf16>
    %get3A_41 = arith.constant 0 : index
    %get3A_42 = arith.constant 0 : index
    %get3A_43 = vector.load %arg8[%get3A_41, %get3A_42] : memref<1x64xf32, #tpu.memory_space<vmem>>, vector<1x64xf32>
    %convert_element_type3A_44 = arith.truncf %get3A_43 : vector<1x64xf32> to vector<1x64xbf16>
    %dot_general3A_45 = arith.constant dense<0.000000e+00> : vector<1x12800xf32>
    %dot_general3A_46 = tpu.matmul %convert_element_type3A_44, %add3A_40, %dot_general3A_45 {dimension_numbers = #tpu.dot_dimension_numbers<[1], [0], [0], [1], [0, 0, 1, 1], [], []>, transpose_lhs_hint = false} : vector<1x64xbf16>, vector<64x12800xbf16>, vector<1x12800xf32> -> vector<1x12800xf32>
    %get3A_47 = arith.constant 0 : index
    %get3A_48 = arith.constant 0 : index
    %get3A_49 = vector.load %arg9[%get3A_47, %get3A_48] : memref<1x1xf32, #tpu.memory_space<vmem>>, vector<1x1xf32>
    %add3A_50 = vector.broadcast %get3A_49 : vector<1x1xf32> to vector<1x12800xf32>
    %add3A_51 = arith.addf %dot_general3A_46, %add3A_50 : vector<1x12800xf32>
    %neg3A = arith.constant 0.000000e+00 : f32
    %neg3A_52 = vector.broadcast %neg3A : f32 to vector<1x12800xf32>
    %neg3A_53 = arith.subf %neg3A_52, %add3A_51 : vector<1x12800xf32>
    %exp3A = math.exp %neg3A_53 : vector<1x12800xf32>
    %add3A_54 = arith.constant 1.000000e+00 : f32
    %add3A_55 = vector.broadcast %add3A_54 : f32 to vector<1x12800xf32>
    %add3A_56 = arith.addf %add3A_55, %exp3A : vector<1x12800xf32>
    %div3A = arith.constant 1.000000e+00 : f32
    %div3A_57 = vector.broadcast %div3A : f32 to vector<1x12800xf32>
    %div3A_58 = arith.divf %div3A_57, %add3A_56 : vector<1x12800xf32>
    %broadcast_in_dim3A = vector.shape_cast %div3A_58 : vector<1x12800xf32> to vector<1x1x12800xf32>
    %swap3A = arith.constant 0 : index
    %swap3A_59 = arith.constant 0 : index
    %swap3A_60 = arith.constant 0 : index
    %swap3A_61 = vector.load %arg10[%swap3A, %swap3A_59, %swap3A_60] : memref<1x1x12800xf32, #tpu.memory_space<vmem>>, vector<1x1x12800xf32>
    tpu.vector_store %arg10[%swap3A, %swap3A_59, %swap3A_60], %broadcast_in_dim3A {strides = array<i32>} : memref<1x1x12800xf32, #tpu.memory_space<vmem>>, vector<1x1x12800xf32>,
    return
  }
  func.func @transform_0(%arg0: i32) -> (i32, i32) {
    %c0_i32 = arith.constant 0 : i32
    %c0_i32_0 = arith.constant 0 : i32
    return %c0_i32, %arg0 : i32, i32
  }
  func.func @transform_1(%arg0: i32) -> (i32, i32) {
    %c0_i32 = arith.constant 0 : i32
    %c0_i32_0 = arith.constant 0 : i32
    return %c0_i32, %arg0 : i32, i32
  }
  func.func @transform_2(%arg0: i32) -> (i32, i32) {
    %c0_i32 = arith.constant 0 : i32
    %c0_i32_0 = arith.constant 0 : i32
    %c0_i32_1 = arith.constant 0 : i32
    return %c0_i32, %c0_i32_0 : i32, i32
  }
  func.func @transform_3(%arg0: i32) -> (i32, i32) {
    %c0_i32 = arith.constant 0 : i32
    %c0_i32_0 = arith.constant 0 : i32
    %c0_i32_1 = arith.constant 0 : i32
    return %c0_i32, %c0_i32_0 : i32, i32
  }
  func.func @transform_4(%arg0: i32) -> (i32, i32) {
    %c0_i32 = arith.constant 0 : i32
    %c0_i32_0 = arith.constant 0 : i32
    %c0_i32_1 = arith.constant 0 : i32
    return %c0_i32, %c0_i32_0 : i32, i32
  }
  func.func @transform_5(%arg0: i32) -> (i32, i32) {
    %c0_i32 = arith.constant 0 : i32
    %c0_i32_0 = arith.constant 0 : i32
    %c0_i32_1 = arith.constant 0 : i32
    return %c0_i32, %c0_i32_0 : i32, i32
  }
  func.func @transform_6(%arg0: i32) -> (i32, i32) {
    %c0_i32 = arith.constant 0 : i32
    %c0_i32_0 = arith.constant 0 : i32
    %c0_i32_1 = arith.constant 0 : i32
    return %c0_i32, %c0_i32_0 : i32, i32
  }
  func.func @transform_7(%arg0: i32) -> (i32, i32) {
    %c0_i32 = arith.constant 0 : i32
    %c0_i32_0 = arith.constant 0 : i32
    %c0_i32_1 = arith.constant 0 : i32
    return %c0_i32, %c0_i32_0 : i32, i32
  }
  func.func @transform_8(%arg0: i32) -> (i32, i32) {
    %c0_i32 = arith.constant 0 : i32
    %c0_i32_0 = arith.constant 0 : i32
    %c0_i32_1 = arith.constant 0 : i32
    return %c0_i32, %c0_i32_0 : i32, i32
  }
  func.func @transform_9(%arg0: i32) -> (i32, i32, i32) {
    %c0_i32 = arith.constant 0 : i32
    %c0_i32_0 = arith.constant 0 : i32
    %c0_i32_1 = arith.constant 0 : i32
    return %arg0, %c0_i32, %c0_i32_0 : i32, i32, i32
  }
}

</mosaic_0001>

<sc_bundles>
// kernel: kernel.6.cloned.1.call-start
scs
__scs_entry_jumppad:
0x0: {  	(pc) =	sbr.rel $0x88, $3  }
0x1: {  	(tag) =	ssettag $0x0;
	lr =	simm.s32 $0x1  }
0x2: {  	[smem:$0x3F91] =	sst lr;
	_ =	strace $0xD0000000  }
0x3: {  	_ = 	snop  }
0x4: {  	_ = 	snop  }
0x5: {  	_ = 	snop  }
0x6: {  	_ = 	snop  }
0x7: {  	_ = 	snop  }
__scs_overlays_trampoline_lowered:
0x8: {  	[smem:$0x3FA0] =	sst s0  }
0x9: {  	[smem:$0x3FA1] =	sst s1  }
0xa: {  	[smem:$0x3FA2] =	sst s2  }
0xb: {  	[smem:$0x3FA3] =	sst s3  }
0xc: {  	[smem:$0x3FA4] =	sst s4  }
0xd: {  	[smem:$0x3FA5] =	sst s5  }
0xe: {  	[smem:$0x3FA6] =	sst s6  }
0xf: {  	[smem:$0x3FA7] =	sst s7  }
0x10: {  	[smem:$0x3FA8] =	sst s8  }
0x11: {  	[smem:$0x3FA9] =	sst s9;
	s0 =	simm.s32 @!p0 $0x0  }
0x12: {  	s1 =	sld [smem:$0x3F8F];
	s0 =	simm.s32 @p0 $0x1  }
0x13: {  	[smem:$0x3FAA] =	sst s0;
	s0 =	simm.s32 @!p1 $0x0  }
0x14: {  	s2 =	sld [smem:$0x3F8E];
	s0 =	simm.s32 @p1 $0x1  }
0x15: {  	[smem:$0x3FAB] =	sst s0;
	s0 =	simm.s32 @!p2 $0x0  }
0x16: {  	s3 =	sld [smem:$0x3FDB];
	s0 =	simm.s32 @p2 $0x1  }
0x17: {  	s4 =	simm.s32 $0x1BF5;
	[smem:$0x3FAD] =	sst s0  }
0x18: {  	s0 =	sld [smem:$0x3F90];
	_ =	swait.ge [sflag:s4], $0x0  }
0x19: {  	s7 =	sld [smem:$0x3F91]  }
0x1a: {  	s8 =	sadd.s32 $0xFFFFE003, lr  }
0x1b: {  	s9 =	sadd.s32 $0xFFFFFEF7, lr;
	s5 =	simm.s32 $0xFFFFFFFF;
	p2 =	slt.u32 s8, $0xFFFFF086  }
0x1c: {  	p1 =	slt.u32 s9, $0xF7A;
	s5 =	simm.s32 @!p2 $0x0  }
0x1d: {  	s5 =	simm.s32 @p1 $0x1;
	p0 =	seq.s32 s7, s2  }
0x1e: {  	s7 =	smul.u32 @!p0 $0xF7A, s2;
	p2 =	seq.s32 @!p0 s5, $0x0  }
0x1f: {  	s9 =	smul.u32 $0xF7A, s1;
	s8 =	simm.s32 @!p0 $0x1BF5;
	p2 =	por !p2, p0  }
0x20: {  	[sflag:s8] =	ssyncset.s32 @!p0 $0xFFFFF086;
	s6 =	sadd.s32 @!p0 s3, s7;
	s7 =	simm.s32 @!p0 $0x108  }
0x21: {  	s3 =	sadd.s32 s3, s9;
	s6 =	sadd.s32 @!p0 $0x88, s6;
	s7 =	simm.s32 @p2 $0x1082  }
0x22: {  	[simem:s7], [sflag:s8] =	dma.local @!p0 [hbm:s6], $0xF7A  }
0x23: {  	s9 =	sor.u32 $0xD0000000, s2;
	s6 =	simm.s32 $0x108;
	_ =	swait.ge @!p0 [sflag:s8], $0x0  }
0x24: {  	s3 =	sadd.s32 $0x88, s3;
	s6 =	simm.s32 @!p1 $0x1082;
	[sflag:s4] =	ssyncset.s32 $0xFFFFF086  }
0x25: {  	[simem:s6], [sflag:s4] =	dma.local [hbm:s3], $0xF7A  }
0x26: {  	[smem:$0x3F91] =	sst s1;
	(tag) =	ssettag s2;
	_ =	strace s9  }
0x27: {  	s1 =	sld [smem:$0x3FA1]  }
0x28: {  	s2 =	sld [smem:$0x3FA2]  }
0x29: {  	s4 =	sld [smem:$0x3FA4]  }
0x2a: {  	p0 =	seq.s32 s5, $0x0;
	s5 =	sld [smem:$0x3FA5]  }
0x2b: {  	s6 =	sld [smem:$0x3FA6]  }
0x2c: {  	s7 =	sld [smem:$0x3FA7]  }
0x2d: {  	s3 =	simm.s32 $0x108;
	s8 =	sld [smem:$0x3FA8]  }
0x2e: {  	s3 =	simm.s32 @!p0 $0x1082;
	s9 =	sld [smem:$0x3FA9]  }
0x2f: {  	lr =	sadd.s32 s0, s3;
	s0 =	sld [smem:$0x3FA0]  }
0x30: {  	s3 =	sld [smem:$0x3FA3]  }
0x31: {  	[smem:$0x3FAC] =	sst s10  }
0x32: {  	s10 =	sld [smem:$0x3FAA];
	_ =	sdelay $0x3  }
0x33: {  	p0 =	seq.s32 s10, $0x1;
	s10 =	sld [smem:$0x3FAC];
	_ =	sdelay $0x3  }
0x34: {  	[smem:$0x3FAC] =	sst s10  }
0x35: {  	s10 =	sld [smem:$0x3FAB];
	_ =	sdelay $0x3  }
0x36: {  	p1 =	seq.s32 s10, $0x1;
	s10 =	sld [smem:$0x3FAC];
	_ =	sdelay $0x3  }
0x37: {  	[smem:$0x3FAC] =	sst s10  }
0x38: {  	s10 =	sld [smem:$0x3FAD]  }
0x39: {  	_ = 	snop;
	(pc) =	sbr.ind lr, $3  }
0x3a: {  	_ = 	snop  }
0x3b: {  	_ = 	snop  }
0x3c: {  	p2 =	seq.s32 s10, $0x1;
	s10 =	sld [smem:$0x3FAC]  }
0x3d: {  	_ =	shalt  }
0x3e: {  	_ =	shalt  }
0x3f: {  	_ =	shalt  }
0x40: {  	_ =	shalt  }
0x41: {  	_ =	shalt  }
0x42: {  	_ =	shalt  }
0x43: {  	_ =	shalt  }
0x44: {  	_ =	shalt  }
0x45: {  	_ =	shalt  }
0x46: {  	_ =	shalt  }
0x47: {  	_ =	shalt  }
0x48: {  	_ =	shalt  }
0x49: {  	_ =	shalt  }
0x4a: {  	_ =	shalt  }
0x4b: {  	_ =	shalt  }
0x4c: {  	_ =	shalt  }
0x4d: {  	_ =	shalt  }
0x4e: {  	_ =	shalt  }
0x4f: {  	_ =	shalt  }
0x50: {  	_ =	shalt  }
0x51: {  	_ =	shalt  }
0x52: {  	_ =	shalt  }
0x53: {  	_ =	shalt  }
0x54: {  	_ =	shalt  }
0x55: {  	_ =	shalt  }
0x56: {  	_ =	shalt  }
0x57: {  	_ =	shalt  }
0x58: {  	_ =	shalt  }
0x59: {  	_ =	shalt  }
0x5a: {  	_ =	shalt  }
0x5b: {  	_ =	shalt  }
0x5c: {  	_ =	shalt  }
0x5d: {  	_ =	shalt  }
0x5e: {  	_ =	shalt  }
0x5f: {  	_ =	shalt  }
0x60: {  	_ =	shalt  }
0x61: {  	_ =	shalt  }
0x62: {  	_ =	shalt  }
0x63: {  	_ =	shalt  }
0x64: {  	_ =	shalt  }
0x65: {  	_ =	shalt  }
0x66: {  	_ =	shalt  }
0x67: {  	_ =	shalt  }
0x68: {  	_ =	shalt  }
0x69: {  	_ =	shalt  }
0x6a: {  	_ =	shalt  }
0x6b: {  	_ =	shalt  }
0x6c: {  	_ =	shalt  }
0x6d: {  	_ =	shalt  }
0x6e: {  	_ =	shalt  }
0x6f: {  	_ =	shalt  }
0x70: {  	_ =	shalt  }
0x71: {  	_ =	shalt  }
0x72: {  	_ =	shalt  }
0x73: {  	_ =	shalt  }
0x74: {  	_ =	shalt  }
0x75: {  	_ =	shalt  }
0x76: {  	_ =	shalt  }
0x77: {  	_ =	shalt  }
0x78: {  	_ =	shalt  }
0x79: {  	_ =	shalt  }
0x7a: {  	_ =	shalt  }
0x7b: {  	_ =	shalt  }
0x7c: {  	_ =	shalt  }
0x7d: {  	_ =	shalt  }
0x7e: {  	_ =	shalt  }
0x7f: {  	_ =	shalt  }
0x80: {  	_ =	shalt  }
0x81: {  	_ =	shalt  }
0x82: {  	_ =	shalt  }
0x83: {  	_ =	shalt  }
0x84: {  	_ =	shalt  }
0x85: {  	_ =	shalt  }
0x86: {  	_ =	shalt  }
0x87: {  	_ =	shalt  }
.Lfunc_end0:
.L_simem_size_0:
called_computation_lowered:
.L_overlay_start_0:
0x88: {  	s2 =	sld [smem:$0x3FD9]  }
0x89: {  	s3 =	sld [smem:$0x3FFE];
	_ =	sdelay $0x1  }
0x8a: {  	s1 =	srdreg.scid  }
0x8b: {  	s0 =	sand.u32 $0x1, s1  }
0x8c: {  	s14 =	sshll.u32 s0, $0xA;
	s2 =	sadd.s32 s3, s2  }
0x8d: {  	s2 =	sadd.s32 s2, s14  }
0x8e: {  	[smem:$0x3FB8] =	sst s2  }
0x8f: {  	_ = 	snop  }
0x90: {  	s2 =	sld [smem:$0x3FD0];
	_ =	sdelay $0x2  }
0x91: {  	s4 =	simm.s32 $0xA;
	s5 =	simm.s32 $0x10;
	s15 =	sld [smem:$0x3FC8]  }
0x92: {  	[smem:s5], [sflag:s4] =	dma.local [hbm:s2], $0x1  }
0x93: {  	_ =	swait.eq [sflag:s4], $0x1  }
0x94: {  	[sflag:s4] =	ssyncset.done $0x0  }
0x95: {  	[sflag:s4] =	ssyncadd.s32 $0xFFFFFFFF  }
0x96: {  	s16 =	sld [smem:$0x11];
	(tm) =	ssettm $0x1  }
0x97: {  	s17 =	sld [smem:$0x3FFB];
	_ =	sdelay $0x3  }
0x98: {  	_ =	strace s17  }
0x99: {  	s4 =	sld [smem:$0x3FFC];
	_ =	sdelay $0x3  }
0x9a: {  	_ =	strace s4  }
0x9b: {  	s4 =	sld [smem:$0x3FFD];
	_ =	sdelay $0x3  }
0x9c: {  	_ =	strace s4  }
0x9d: {  	_ =	strace $0x8FFFFFFF  }
0x9e: {  	s18 =	sld [smem:$0x3FDB];
	_ =	sdelay $0x1  }
0x9f: {  	s19 =	simm.s32 $_scs_section_size  }
0xa0: {  	s6 =	simm.s32 $_size__tile_overlayer_lowered;
	s7 =	simm.s32 $_tile_overlayer_lowered  }
0xa1: {  	s22 =	simm.s32 $0x1BFF;
	s21 =	sshll.u32 s7, $0x1;
	s4 =	sadd.s32 s19, s18  }
0xa2: {  	s8 =	simm.s32 $0x0;
	s20 =	sshll.u32 s6, $0x1;
	s6 =	sadd.s32 s21, s4  }
0xa3: {  	[timem:s8], [sflag:s22] =	dma.local [hbm:s6], s20  }
0xa4: {  	_ =	swait.ge [sflag:s22], s20  }
0xa5: {  	s5 =	ssub.s32 $0x0, s20;
	[sflag:s22] =	ssyncset.done $0x0  }
0xa6: {  	[sflag:s22] =	ssyncadd.s32 s5;
	_ =	sdelay $0x1  }
0xa7: {  	s23 =	simm.s32 $0x1B8B  }
0xa8: {  	_ =	swait.ge [sflag:s23], $0x1  }
0xa9: {  	[sflag:s23] =	ssyncset.done $0x0  }
0xaa: {  	s25 =	simm.s32 $0x1B8E;
	s24 =	sld [smem:$0x3FFE];
	[sflag:s23] =	ssyncadd.s32 $0xFFFFFFFF  }
0xab: {  	s26 =	simm.s32 $execute0_lowered;
	[smem:$0x3FD2] =	sst s25  }
0xac: {  	s6 =	sshll.u32 s26, $0x1;
	_ =	strace $0x80000046;
	[dreg:$0x1] =	wrdreg $0xFFFFFFFF  }
0xad: {  	s28 =	simm.s32 $_size_execute0_lowered;
	s4 =	sadd.s32 s4, s6;
	[dreg:$0x0] =	wrdreg $0x0  }
0xae: {  	s6 =	sshll.u32 s28, $0x1;
	[dreg:$0x2] =	wrdreg s4  }
0xaf: {  	[dreg:$0x3] =	wrdreg s6  }
0xb0: {  	[dreg:$0x4] =	wrdreg $0xC0  }
0xb1: {  	_ =	task [dreg:s8], $0x5FFFF  }
0xb2: {  	[dreg:$0x1] =	wrdreg $0xFFFFFFFF  }
0xb3: {  	[dreg:$0x0] =	wrdreg $0x60  }
0xb4: {  	[dreg:$0x2] =	wrdreg s15  }
0xb5: {  	[dreg:$0x3] =	wrdreg s16  }
0xb6: {  	[dreg:$0x4] =	wrdreg s24  }
0xb7: {  	[dreg:$0x5] =	wrdreg $0xC9800  }
0xb8: {  	[dreg:$0x6] =	wrdreg $0x9  }
0xb9: {  	_ =	task.clear_ibuf [dreg:s8], $0x7FFFF;
	_ =	strace $0x90000046  }
0xba: {  	s29 =	simm.s32 $0x9;
	_ =	strace $0x80000048  }
0xbb: {  	_ =	swait.ge [sflag:s29], $0x1  }
0xbc: {  	[sflag:s29] =	ssyncadd.s32 $0xFFFFFFFF  }
0xbd: {  	_ =	strace $0x90000048  }
0xbe: {  	_ =	sfence  }
0xbf: {  	s30 =	sld [smem:$0x0];
	_ =	sdelay $0x2  }
0xc0: {  	s31 =	sshll.u32 s1, $0xD;
	s1 =	sshrl.u32 s1, $0x2  }
0xc1: {  	s3 =	sand.u32 $0x4000, s31;
	s1 =	sadd.s32 s1, s30  }
0xc2: {  	s0 =	sor.u32 s3, s0;
	s1 =	sshll.u32 s1, $0x11  }
0xc3: {  	s0 =	sor.u32 s1, s0  }
0xc4: {  	s0 =	sadd.s32 $0x8F2B, s0  }
0xc5: {  	[sflag:s0] =	ssyncadd.remote.s32 $0x1  }
0xc6: {  	_ =	sfence.sel $0xFFFF  }
0xc7: {  	[dreg:$0x0] =	wrdreg $0xFFFFFFFF;
	(pc) =	sbr.abs _section_cstart, $3  }
0xc8: {  	[dreg:$0x1] =	wrdreg $0xFFFFFFFF  }
0xc9: {  	_ =	task.clear_ibuf [dreg:s8], $0x2FFFF;
	_ =	strace $0x9FFFFFFF  }
0xca: {  	(tm) =	ssettm $0x7FFFFFFF  }
0xcb: {  	_ =	shalt  }
tec
execute0_lowered:
.L_overlay_start_1:
0x0: {  	(tag) =	ssettag $0x1  }
0x1: {  	s4 =	rddreg [dreg:$0x0]  }
0x2: {  	s9 =	rddreg [dreg:$0x1]  }
0x3: {  	s0 =	srdreg.scid;
	s8 =	rddreg [dreg:$0x2]  }
0x4: {  	s12 =	stileid.u32;
	s1 =	rddreg [dreg:$0x3];
	s2 =	simm.s32 $0x0  }
0x5: {  	s15 =	simm.s32 $0x7B00;
	s16 =	simm.s32 $0x7900;
	s17 =	simm.s32 $0x200  }
0x6: {  	s18 =	simm.s32 $0x0;
	s10 =	sand.u32 $0x1, s0;
	s0 =	rddreg [dreg:$0x4]  }
0x7: {  	s31 =	sshll.u32 s12, $0x1;
	[smem:$0x7FF] =	sst s2;
	p0 =	sne.s32 s12, $0x0  }
0x8: {  	s12 =	simm.s32 $0xA200;
	s11 =	sor.u32 s10, s31;
	s5 =	ssub.s32 $0x2, s10  }
0x9: {  	_ =	strace $0x80000047;
	s10 =	sshll.u32 s10, $0x4;
	s3 =	smul.u32 $0x2700, s11  }
0xa: {  	s6 =	smul.u32 $0x9C0, s11;
	s7 =	sshrl.u32 s5, $0x1;
	s9 =	sadd.s32 s9, s10  }
.Ltmp0:
0xb: {  	p1 =	sne.s32 s11, $0x1F;
	s11 =	simm.s32 $0x1;
	(pc) =	sbr.rel .LBB2_1-.Ltmp0, $4  }
0xc: {  	s14 =	ssub.s32 s5, s7;
	s7 =	sadd.s32 $0xC400, s8;
	s3 =	sshrl.u32 s3, $0x3  }
0xd: {  	s10 =	smax.u32 s14, $0x1;
	s14 =	simm.s32 $0x2700;
	s13 =	sadd.s32 s3, s8  }
0xe: {  	s3 =	sadd.s32 s4, s6;
	s4 =	sadd.s32 $0x13800, s4;
	s8 =	sadd.s32 $0x16040, s8  }
0xf: {  	v0 =	vimm.f32 $0.0e+00;
	v1 =	vimm.f32 $1.000000000e+00;
	s5 =	sadd.s32 $0x2800, s13;
	s6 =	sadd.s32 $0xC440, s13;
	s13 =	simm.s32 $0x5200  }
.LBB2_13:
0x10: {  	[bflag:$0x0] =	sbarrier.arrive $0xFFFF;
	s19 =	sshrl.u32 @!p0 s1, $0x3;
	s18 =	sadd.s32 $0x1, s18  }
0x11: {  	s20 =	simm.s32 @!p0 $0x1;
	s21 =	simm.s32 @!p0 $0x20;
	p2 =	sne.s32 s18, s10  }
.Ltmp1:
0x12: {  	s22 =	simm.s32 @!p0 $0x10;
	s23 =	simm.s32 @!p0 $0x1C01;
	(pc) =	sbr.rel @!p2 .LBB2_14-.Ltmp1, $4  }
0x13: {  	[hbm:s9@s21], [sflag:s23] =	dma.strided @!p0 [spmem:s19@s22], $0x4F0, s20, $0x10   }
0x14: {  	_ =	swait.ge @!p0 [sflag:s20], $0x4F0  }
0x15: {  	[sflag:s20] =	ssyncset.done @!p0 $0x0  }
0x16: {  	[sflag:s20] =	ssyncadd.s32 @!p0 $0xFFFFFB10  }
.LBB2_1:
0x17: {  	[tilespmem:s2], [sflag:$0x1] =	stream.linear.gather [hbm4b:s3+s2], $0x4E00, $0x38;
	[tilespmem:$0xCBF8] =	vst v63  }
0x18: {  	_ =	swait.ge [sflag:s11], $0x4E00  }
0x19: {  	[sflag:s11] =	ssyncset.done $0x0  }
0x1a: {  	s19 =	simm.s32 @!p1 $0x0;
	s20 =	simm.s32 @!p1 $0x4E00;
	[sflag:s11] =	ssyncadd.s32 $0xFFFFB200  }
0x1b: {  	[tilespmem:s20], [sflag:$0x1] =	stream.linear.gather @!p1 [hbm4b:s4+s19], $0x400, $0x38;
	[tilespmem:$0xCBF8] =	vst v63  }
.Ltmp2:
0x1c: {  	_ = 	snop;
	(pc) =	sbr.rel @p0 .LBB2_5-.Ltmp2, $4  }
0x1d: {  	s19 =	simm.s32 @!p1 $0x1  }
0x1e: {  	_ =	swait.ge @!p1 [sflag:s19], $0x400  }
0x1f: {  	[sflag:s19] =	ssyncset.done @!p1 $0x0  }
0x20: {  	[sflag:s19] =	ssyncadd.s32 @!p1 $0xFFFFFC00  }
0x21: {  	s19 =	simm.s32 $0x40;
	s20 =	simm.s32 $0x0  }
.LBB2_3:
0x22: {  	p2 =	sne.s32 s19, $0x9C00;
	[tilespmem:s20+$0xA200] =	vst v0;
	s20 =	smov.u32 s19;
	s19 =	sadd.s32 $0x40, s19  }
.Ltmp3:
0x23: {  	(pc) =	sbr.rel @p2 .LBB2_3-.Ltmp3, $2  }
0x24: {  	_ =	sdelay $0x2  }
0x25: {  	s20 =	sshra.s32 s20, $0x2  }
0x26: {  	[tilespmem:s20+$0xA200] =	vst v0  }
0x27: {  	[spmem:s1] =	stream.linear.scatter [tilespmem:s12], [sflag:$0x1], $0x2780, $0x38;
	[tilespmem:$0xCBF8] =	vst v63  }
0x28: {  	_ =	swait.ge [sflag:s11], $0x2780  }
0x29: {  	[sflag:s11] =	ssyncset.done $0x0  }
0x2a: {  	[sflag:s11] =	ssyncadd.s32 $0xFFFFD880  }
.LBB2_5:
0x2b: {  	s19 =	simm.s32 $0x40;
	s20 =	simm.s32 $0x0  }
.LBB2_6:
0x2c: {  	p2 =	sne.s32 s19, $0x9BC0;
	[tilespmem:s20+$0x7B00] =	vst v1;
	s20 =	smov.u32 s19;
	s19 =	sadd.s32 $0x40, s19  }
.Ltmp4:
0x2d: {  	(pc) =	sbr.rel @p2 .LBB2_6-.Ltmp4, $2  }
0x2e: {  	_ =	sdelay $0x2  }
0x2f: {  	s20 =	sshra.s32 s20, $0x2  }
0x30: {  	[tilespmem:s20+$0x7B00] =	vst v1  }
0x31: {  	s19 =	simm.s32 $0x40;
	[bflag:$0x0] =	sbarrier.arrive $0xFFFF  }
0x32: {  	s20 =	simm.s32 $0x0;
	s21 =	simm.s32 $0x200;
	v2 =	vld [tilespmem:s19+$0xFFFFFFC0]  }
.LBB2_8:
0x33: {  	p2 =	sne.s32 s21, $0x9A00;
	_ =	sdelay $0x2  }
0x34: {  	s22 =	sshra.s32 s20, $0x2;
	s20 =	smov.u32 s21  }
0x35: {  	[tilespmem:s22+$0x5200] =	vst v2  }
0x36: {  	v2 =	vld [tilespmem:s19+$0xFFFFFFD0];
	_ =	sdelay $0x4  }
0x37: {  	[tilespmem:s22+$0x5210] =	vst v2  }
0x38: {  	v2 =	vld [tilespmem:s19+$0xFFFFFFE0];
	_ =	sdelay $0x4  }
0x39: {  	[tilespmem:s22+$0x5220] =	vst v2  }
0x3a: {  	v2 =	vld [tilespmem:s19+$0xFFFFFFF0];
	_ =	sdelay $0x4  }
0x3b: {  	[tilespmem:s22+$0x5230] =	vst v2  }
0x3c: {  	v2 =	vld [tilespmem:s19+$0x0];
	_ =	sdelay $0x4  }
0x3d: {  	[tilespmem:s22+$0x5240] =	vst v2  }
0x3e: {  	v2 =	vld [tilespmem:s19+$0x10];
	_ =	sdelay $0x4  }
0x3f: {  	[tilespmem:s22+$0x5250] =	vst v2  }
0x40: {  	v2 =	vld [tilespmem:s19+$0x20];
	_ =	sdelay $0x4  }
0x41: {  	[tilespmem:s22+$0x5260] =	vst v2  }
0x42: {  	v2 =	vld [tilespmem:s19+$0x30];
	_ =	sdelay $0x1  }
.Ltmp5:
0x43: {  	(pc) =	sbr.rel @p2 .LBB2_8-.Ltmp5, $3  }
0x44: {  	_ =	sdelay $0x1  }
0x45: {  	s19 =	sadd.s32 $0x100, s19;
	[tilespmem:s22+$0x5270] =	vst v2  }
0x46: {  	s21 =	sadd.s32 $0x200, s21;
	v2 =	vld [tilespmem:s19+$0xFFFFFFC0]  }
0x47: {  	_ =	sdelay $0x2  }
0x48: {  	s20 =	sshra.s32 s20, $0x2  }
0x49: {  	[tilespmem:s20+$0x5200] =	vst v2  }
0x4a: {  	v2 =	vld [tilespmem:s19+$0xFFFFFFD0];
	_ =	sdelay $0x4  }
0x4b: {  	[tilespmem:s20+$0x5210] =	vst v2  }
0x4c: {  	v2 =	vld [tilespmem:s19+$0xFFFFFFE0];
	_ =	sdelay $0x4  }
0x4d: {  	[tilespmem:s20+$0x5220] =	vst v2  }
0x4e: {  	v2 =	vld [tilespmem:s19+$0xFFFFFFF0];
	_ =	sdelay $0x4  }
0x4f: {  	[tilespmem:s20+$0x5230] =	vst v2  }
0x50: {  	v2 =	vld [tilespmem:s19+$0x0];
	_ =	sdelay $0x4  }
0x51: {  	[tilespmem:s20+$0x5240] =	vst v2  }
0x52: {  	v2 =	vld [tilespmem:s19+$0x10];
	_ =	sdelay $0x4  }
0x53: {  	[tilespmem:s20+$0x5250] =	vst v2  }
0x54: {  	v2 =	vld [tilespmem:s19+$0x20];
	_ =	sdelay $0x4  }
0x55: {  	[tilespmem:s20+$0x5260] =	vst v2  }
0x56: {  	v2 =	vld [tilespmem:s19+$0x30];
	_ =	sdelay $0x4  }
0x57: {  	[tilespmem:s20+$0x5270] =	vst v2;
	s20 =	simm.s32 $0x0  }
0x58: {  	[hbm4b:s5+s20] =	stream.linear.scatter [tilespmem:s13], [sflag:$0x1], $0x2700, $0x38;
	[tilespmem:$0xCBF8] =	vst v63  }
0x59: {  	_ =	swait.ge [sflag:s11], $0x2700  }
0x5a: {  	[sflag:s11] =	ssyncset.done $0x0  }
0x5b: {  	[sflag:s11] =	ssyncadd.s32 $0xFFFFD900  }
0x5c: {  	[spmem:s1] =	stream.indirect.scatter.add.f32 [tilespmem:s15], [sflag:$0x1], $0x1, s13, s14, $0xb8;
	[tilespmem:$0xCBF8] =	vst v63  }
0x5d: {  	_ =	swait.ge [sflag:s11], $0x2700  }
0x5e: {  	[sflag:s11] =	ssyncset.done $0x0  }
0x5f: {  	s19 =	simm.s32 $0xF0;
	[sflag:s11] =	ssyncadd.s32 $0xFFFFD900  }
0x60: {  	s21 =	simm.s32 $0x200;
	v2 =	vld [tilespmem:s19+$0xFFFFFF90]  }
.LBB2_10:
0x61: {  	p2 =	sne.s32 s21, $0x9A00;
	_ =	sdelay $0x2  }
0x62: {  	s22 =	sshra.s32 s20, $0x2;
	s20 =	smov.u32 s21  }
0x63: {  	[tilespmem:s22+$0x5200] =	vst v2  }
0x64: {  	v2 =	vld [tilespmem:s19+$0xFFFFFFA0];
	_ =	sdelay $0x4  }
0x65: {  	[tilespmem:s22+$0x5210] =	vst v2  }
0x66: {  	v2 =	vld [tilespmem:s19+$0xFFFFFFB0];
	_ =	sdelay $0x4  }
0x67: {  	[tilespmem:s22+$0x5220] =	vst v2  }
0x68: {  	v2 =	vld [tilespmem:s19+$0xFFFFFFC0];
	_ =	sdelay $0x4  }
0x69: {  	[tilespmem:s22+$0x5230] =	vst v2  }
0x6a: {  	v2 =	vld [tilespmem:s19+$0xFFFFFFD0];
	_ =	sdelay $0x4  }
0x6b: {  	[tilespmem:s22+$0x5240] =	vst v2  }
0x6c: {  	v2 =	vld [tilespmem:s19+$0xFFFFFFE0];
	_ =	sdelay $0x4  }
0x6d: {  	[tilespmem:s22+$0x5250] =	vst v2  }
0x6e: {  	v2 =	vld [tilespmem:s19+$0xFFFFFFF0];
	_ =	sdelay $0x4  }
0x6f: {  	[tilespmem:s22+$0x5260] =	vst v2  }
0x70: {  	v2 =	vld [tilespmem:s19+$0x0];
	_ =	sdelay $0x1  }
.Ltmp6:
0x71: {  	(pc) =	sbr.rel @p2 .LBB2_10-.Ltmp6, $3  }
0x72: {  	_ =	sdelay $0x1  }
0x73: {  	s19 =	sadd.s32 $0x100, s19;
	[tilespmem:s22+$0x5270] =	vst v2  }
0x74: {  	s21 =	sadd.s32 $0x200, s21;
	v2 =	vld [tilespmem:s19+$0xFFFFFF90]  }
0x75: {  	_ =	sdelay $0x2  }
0x76: {  	s20 =	sshra.s32 s20, $0x2  }
0x77: {  	[tilespmem:s20+$0x5200] =	vst v2  }
0x78: {  	v2 =	vld [tilespmem:s19+$0xFFFFFFA0];
	_ =	sdelay $0x4  }
0x79: {  	[tilespmem:s20+$0x5210] =	vst v2  }
0x7a: {  	v2 =	vld [tilespmem:s19+$0xFFFFFFB0];
	_ =	sdelay $0x4  }
0x7b: {  	[tilespmem:s20+$0x5220] =	vst v2  }
0x7c: {  	v2 =	vld [tilespmem:s19+$0xFFFFFFC0];
	_ =	sdelay $0x4  }
0x7d: {  	[tilespmem:s20+$0x5230] =	vst v2  }
0x7e: {  	v2 =	vld [tilespmem:s19+$0xFFFFFFD0];
	_ =	sdelay $0x4  }
0x7f: {  	[tilespmem:s20+$0x5240] =	vst v2  }
0x80: {  	v2 =	vld [tilespmem:s19+$0xFFFFFFE0];
	_ =	sdelay $0x4  }
0x81: {  	[tilespmem:s20+$0x5250] =	vst v2  }
0x82: {  	v2 =	vld [tilespmem:s19+$0xFFFFFFF0];
	_ =	sdelay $0x4  }
0x83: {  	[tilespmem:s20+$0x5260] =	vst v2  }
0x84: {  	v2 =	vld [tilespmem:s19+$0x0];
	_ =	sdelay $0x4  }
0x85: {  	[tilespmem:s20+$0x5270] =	vst v2  }
0x86: {  	[hbm4b:s6+s2] =	stream.linear.scatter [tilespmem:s13], [sflag:$0x1], $0x2700, $0x38;
	[tilespmem:$0xCBF8] =	vst v63  }
0x87: {  	_ =	swait.ge [sflag:s11], $0x2700  }
0x88: {  	[sflag:s11] =	ssyncset.done $0x0  }
.Ltmp7:
0x89: {  	[sflag:s11] =	ssyncadd.s32 $0xFFFFD900;
	(pc) =	sbr.rel @p1 .LBB2_13-.Ltmp7, $4  }
0x8a: {  	[spmem:s1] =	stream.indirect.scatter.add.f32 [tilespmem:s15], [sflag:$0x1], $0x1, s13, s14, $0xb8;
	[tilespmem:$0xCBF8] =	vst v63  }
0x8b: {  	_ =	swait.ge [sflag:s11], $0x2700  }
0x8c: {  	[sflag:s11] =	ssyncset.done $0x0  }
0x8d: {  	[sflag:s11] =	ssyncadd.s32 $0xFFFFD900  }
0x8e: {  	v2 =	vld [tilespmem:$0x4E00]  }
0x8f: {  	v3 =	vld [tilespmem:$0x4E10]  }
0x90: {  	v4 =	vld [tilespmem:$0x4E20]  }
0x91: {  	v5 =	vld [tilespmem:$0x4E30]  }
0x92: {  	v6 =	vld [tilespmem:$0x4E40]  }
0x93: {  	[tilespmem:$0x7900] =	vst v2;
	v2 =	vld [tilespmem:$0x4E50]  }
0x94: {  	[tilespmem:$0x7910] =	vst v3;
	v3 =	vld [tilespmem:$0x4E60]  }
0x95: {  	v31 =	vld [tilespmem:$0x4E70];
	[tilespmem:$0x7920] =	vst v4  }
0x96: {  	v32 =	vld [tilespmem:$0x4F00];
	[tilespmem:$0x7930] =	vst v5  }
0x97: {  	v33 =	vld [tilespmem:$0x4F10];
	[tilespmem:$0x7940] =	vst v6  }
0x98: {  	[tilespmem:$0x7950] =	vst v2;
	v2 =	vld [tilespmem:$0x4F20]  }
0x99: {  	[tilespmem:$0x7960] =	vst v3;
	v3 =	vld [tilespmem:$0x4F30]  }
0x9a: {  	v34 =	vld [tilespmem:$0x4F40];
	[tilespmem:$0x7970] =	vst v31  }
0x9b: {  	v35 =	vld [tilespmem:$0x4F50];
	[tilespmem:$0x7980] =	vst v32  }
0x9c: {  	v36 =	vld [tilespmem:$0x4F60];
	[tilespmem:$0x7990] =	vst v33  }
0x9d: {  	[tilespmem:$0x79A0] =	vst v2;
	v2 =	vld [tilespmem:$0x4F70]  }
0x9e: {  	[tilespmem:$0x79B0] =	vst v3;
	v3 =	vld [tilespmem:$0x5000]  }
0x9f: {  	v37 =	vld [tilespmem:$0x5010];
	[tilespmem:$0x79C0] =	vst v34  }
0xa0: {  	v38 =	vld [tilespmem:$0x5020];
	[tilespmem:$0x79D0] =	vst v35  }
0xa1: {  	v39 =	vld [tilespmem:$0x5030];
	[tilespmem:$0x79E0] =	vst v36  }
0xa2: {  	[tilespmem:$0x79F0] =	vst v2;
	v2 =	vld [tilespmem:$0x5040]  }
0xa3: {  	[tilespmem:$0x7A00] =	vst v3;
	v3 =	vld [tilespmem:$0x5050]  }
0xa4: {  	v40 =	vld [tilespmem:$0x5060];
	[tilespmem:$0x7A10] =	vst v37  }
0xa5: {  	v41 =	vld [tilespmem:$0x5070];
	[tilespmem:$0x7A20] =	vst v38  }
0xa6: {  	v42 =	vld [tilespmem:$0x5100];
	[tilespmem:$0x7A30] =	vst v39  }
0xa7: {  	[tilespmem:$0x7A40] =	vst v2;
	v2 =	vld [tilespmem:$0x5110]  }
0xa8: {  	[tilespmem:$0x7A50] =	vst v3;
	v3 =	vld [tilespmem:$0x5120]  }
0xa9: {  	v43 =	vld [tilespmem:$0x5130];
	[tilespmem:$0x7A60] =	vst v40  }
0xaa: {  	v44 =	vld [tilespmem:$0x5140];
	[tilespmem:$0x7A70] =	vst v41  }
0xab: {  	v45 =	vld [tilespmem:$0x5150];
	[tilespmem:$0x7A80] =	vst v42  }
0xac: {  	[tilespmem:$0x7A90] =	vst v2;
	v2 =	vld [tilespmem:$0x5160]  }
0xad: {  	[tilespmem:$0x7AA0] =	vst v3;
	v3 =	vld [tilespmem:$0x5170]  }
0xae: {  	[tilespmem:$0x7AB0] =	vst v43  }
0xaf: {  	[tilespmem:$0x7AC0] =	vst v44  }
0xb0: {  	[tilespmem:$0x7AD0] =	vst v45  }
0xb1: {  	[tilespmem:$0x7AE0] =	vst v2  }
0xb2: {  	[tilespmem:$0x7AF0] =	vst v3  }
0xb3: {  	[hbm4b:s7+s2] =	stream.linear.scatter [tilespmem:s16], [sflag:$0x1], $0x200, $0x38;
	[tilespmem:$0xCBF8] =	vst v63  }
0xb4: {  	_ =	swait.ge [sflag:s11], $0x200  }
0xb5: {  	[sflag:s11] =	ssyncset.done $0x0  }
0xb6: {  	[sflag:s11] =	ssyncadd.s32 $0xFFFFFE00  }
0xb7: {  	[spmem:s1] =	stream.indirect.scatter.add.f32 [tilespmem:s15], [sflag:$0x1], $0x1, s16, s17, $0xb8;
	[tilespmem:$0xCBF8] =	vst v63  }
0xb8: {  	_ =	swait.ge [sflag:s11], $0x200  }
0xb9: {  	[sflag:s11] =	ssyncset.done $0x0  }
0xba: {  	[sflag:s11] =	ssyncadd.s32 $0xFFFFFE00  }
0xbb: {  	v2 =	vld [tilespmem:$0x4E80]  }
0xbc: {  	v3 =	vld [tilespmem:$0x4E90]  }
0xbd: {  	v46 =	vld [tilespmem:$0x4EA0]  }
0xbe: {  	v47 =	vld [tilespmem:$0x4EB0]  }
0xbf: {  	v48 =	vld [tilespmem:$0x4EC0]  }
0xc0: {  	[tilespmem:$0x7900] =	vst v2;
	v2 =	vld [tilespmem:$0x4ED0]  }
0xc1: {  	[tilespmem:$0x7910] =	vst v3;
	v3 =	vld [tilespmem:$0x4EE0]  }
0xc2: {  	v49 =	vld [tilespmem:$0x4EF0];
	[tilespmem:$0x7920] =	vst v46  }
0xc3: {  	v50 =	vld [tilespmem:$0x4F80];
	[tilespmem:$0x7930] =	vst v47  }
0xc4: {  	v51 =	vld [tilespmem:$0x4F90];
	[tilespmem:$0x7940] =	vst v48  }
0xc5: {  	[tilespmem:$0x7950] =	vst v2;
	v2 =	vld [tilespmem:$0x4FA0]  }
0xc6: {  	[tilespmem:$0x7960] =	vst v3;
	v3 =	vld [tilespmem:$0x4FB0]  }
0xc7: {  	v52 =	vld [tilespmem:$0x4FC0];
	[tilespmem:$0x7970] =	vst v49  }
0xc8: {  	v53 =	vld [tilespmem:$0x4FD0];
	[tilespmem:$0x7980] =	vst v50  }
0xc9: {  	v54 =	vld [tilespmem:$0x4FE0];
	[tilespmem:$0x7990] =	vst v51  }
0xca: {  	[tilespmem:$0x79A0] =	vst v2;
	v2 =	vld [tilespmem:$0x4FF0]  }
0xcb: {  	[tilespmem:$0x79B0] =	vst v3;
	v3 =	vld [tilespmem:$0x5080]  }
0xcc: {  	v55 =	vld [tilespmem:$0x5090];
	[tilespmem:$0x79C0] =	vst v52  }
0xcd: {  	v56 =	vld [tilespmem:$0x50A0];
	[tilespmem:$0x79D0] =	vst v53  }
0xce: {  	v57 =	vld [tilespmem:$0x50B0];
	[tilespmem:$0x79E0] =	vst v54  }
0xcf: {  	[tilespmem:$0x79F0] =	vst v2;
	v2 =	vld [tilespmem:$0x50C0]  }
0xd0: {  	[tilespmem:$0x7A00] =	vst v3;
	v3 =	vld [tilespmem:$0x50D0]  }
0xd1: {  	v58 =	vld [tilespmem:$0x50E0];
	[tilespmem:$0x7A10] =	vst v55  }
0xd2: {  	v59 =	vld [tilespmem:$0x50F0];
	[tilespmem:$0x7A20] =	vst v56  }
0xd3: {  	v60 =	vld [tilespmem:$0x5180];
	[tilespmem:$0x7A30] =	vst v57  }
0xd4: {  	[tilespmem:$0x7A40] =	vst v2;
	v2 =	vld [tilespmem:$0x5190]  }
0xd5: {  	[tilespmem:$0x7A50] =	vst v3;
	v3 =	vld [tilespmem:$0x51A0]  }
0xd6: {  	v61 =	vld [tilespmem:$0x51B0];
	[tilespmem:$0x7A60] =	vst v58  }
0xd7: {  	v62 =	vld [tilespmem:$0x51C0];
	[tilespmem:$0x7A70] =	vst v59  }
0xd8: {  	v63 =	vld [tilespmem:$0x51D0];
	[tilespmem:$0x7A80] =	vst v60  }
0xd9: {  	[tilespmem:$0x7A90] =	vst v2;
	v2 =	vld [tilespmem:$0x51E0]  }
0xda: {  	[tilespmem:$0x7AA0] =	vst v3;
	v3 =	vld [tilespmem:$0x51F0]  }
0xdb: {  	[tilespmem:$0x7AB0] =	vst v61  }
0xdc: {  	[tilespmem:$0x7AC0] =	vst v62  }
0xdd: {  	[tilespmem:$0x7AD0] =	vst v63  }
0xde: {  	[tilespmem:$0x7AE0] =	vst v2  }
0xdf: {  	[tilespmem:$0x7AF0] =	vst v3  }
0xe0: {  	[hbm4b:s8+s2] =	stream.linear.scatter [tilespmem:s16], [sflag:$0x1], $0x200, $0x38;
	[tilespmem:$0xCBF8] =	vst v63  }
0xe1: {  	_ =	swait.ge [sflag:s11], $0x200  }
0xe2: {  	[sflag:s11] =	ssyncset.done $0x0  }
.Ltmp8:
0xe3: {  	[sflag:s11] =	ssyncadd.s32 $0xFFFFFE00;
	(pc) =	sbr.rel .LBB2_13-.Ltmp8, $4  }
0xe4: {  	[spmem:s1] =	stream.indirect.scatter.add.f32 [tilespmem:s15], [sflag:$0x1], $0x1, s16, s17, $0xb8;
	[tilespmem:$0xCBF8] =	vst v63  }
0xe5: {  	_ =	swait.ge [sflag:s11], $0x200  }
0xe6: {  	[sflag:s11] =	ssyncset.done $0x0  }
0xe7: {  	[sflag:s11] =	ssyncadd.s32 $0xFFFFFE00  }
.LBB2_14:
0xe8: {  	_ =	sfence.sel $0x180000  }
0xe9: {  	[bflag:$0x0] =	sbarrier.arrive $0xFFFF  }
0xea: {  	_ =	strace $0x90000047  }
0xeb: {  	s0 =	sadd.s32 @!p0 $0x100000, s0;
	[bflag:$0x2] =	sbarrier.arrive $0xFFFF  }
0xec: {  	[sflag:s0] =	ssyncadd.tile.s32 @!p0 $0x1;
	_ =	shalt  }
.Lfunc_end2:
_tile_overlayer_lowered:
.L_overlay_start_2:
0xed: {  	(tag) =	ssettag $0x2  }
0xee: {  	s0 =	rddreg [dreg:$0x0];
	s2 =	stileid.u32  }
0xef: {  	s1 =	rddreg [dreg:$0x1];
	p0 =	sne.s32 s2, $0x0  }
0xf0: {  	s3 =	rddreg [dreg:$0x2];
	[bflag:$0x3] =	sbarrier.arrive $0xFFFF;
	s2 =	simm.s32 @!p0 $0x1C01  }
0xf1: {  	[timem:s3], [sflag:s2] =	dma.local @!p0 [hbm:s0], s1  }
0xf2: {  	s0 =	simm.s32 @!p0 $0x1  }
0xf3: {  	_ =	swait.ge @!p0 [sflag:s0], s1  }
0xf4: {  	s1 =	ssub.s32 @!p0 $0x0, s1;
	[sflag:s0] =	ssyncset.done @!p0 $0x0  }
0xf5: {  	[sflag:s0] =	ssyncadd.s32 @!p0 s1  }
0xf6: {  	[bflag:$0x3] =	sbarrier.arrive $0xFFFF  }
0xf7: {  	_ =	shalt  }

// kernel: kernel.9.cloned.1.call-start
scs
__scs_entry_jumppad:
0x0: {  	(pc) =	sbr.rel $0x88, $3  }
0x1: {  	(tag) =	ssettag $0x0;
	lr =	simm.s32 $0x1  }
0x2: {  	[smem:$0x3F91] =	sst lr;
	_ =	strace $0xD0000000  }
0x3: {  	_ = 	snop  }
0x4: {  	_ = 	snop  }
0x5: {  	_ = 	snop  }
0x6: {  	_ = 	snop  }
0x7: {  	_ = 	snop  }
__scs_overlays_trampoline_lowered:
0x8: {  	[smem:$0x3FA0] =	sst s0  }
0x9: {  	[smem:$0x3FA1] =	sst s1  }
0xa: {  	[smem:$0x3FA2] =	sst s2  }
0xb: {  	[smem:$0x3FA3] =	sst s3  }
0xc: {  	[smem:$0x3FA4] =	sst s4  }
0xd: {  	[smem:$0x3FA5] =	sst s5  }
0xe: {  	[smem:$0x3FA6] =	sst s6  }
0xf: {  	[smem:$0x3FA7] =	sst s7  }
0x10: {  	[smem:$0x3FA8] =	sst s8  }
0x11: {  	[smem:$0x3FA9] =	sst s9;
	s0 =	simm.s32 @!p0 $0x0  }
0x12: {  	s1 =	sld [smem:$0x3F8F];
	s0 =	simm.s32 @p0 $0x1  }
0x13: {  	[smem:$0x3FAA] =	sst s0;
	s0 =	simm.s32 @!p1 $0x0  }
0x14: {  	s2 =	sld [smem:$0x3F8E];
	s0 =	simm.s32 @p1 $0x1  }
0x15: {  	[smem:$0x3FAB] =	sst s0;
	s0 =	simm.s32 @!p2 $0x0  }
0x16: {  	s3 =	sld [smem:$0x3FDB];
	s0 =	simm.s32 @p2 $0x1  }
0x17: {  	s4 =	simm.s32 $0x1BF5;
	[smem:$0x3FAD] =	sst s0  }
0x18: {  	s0 =	sld [smem:$0x3F90];
	_ =	swait.ge [sflag:s4], $0x0  }
0x19: {  	s7 =	sld [smem:$0x3F91]  }
0x1a: {  	s8 =	sadd.s32 $0xFFFFE003, lr  }
0x1b: {  	s9 =	sadd.s32 $0xFFFFFEF7, lr;
	s5 =	simm.s32 $0xFFFFFFFF;
	p2 =	slt.u32 s8, $0xFFFFF086  }
0x1c: {  	p1 =	slt.u32 s9, $0xF7A;
	s5 =	simm.s32 @!p2 $0x0  }
0x1d: {  	s5 =	simm.s32 @p1 $0x1;
	p0 =	seq.s32 s7, s2  }
0x1e: {  	s7 =	smul.u32 @!p0 $0xF7A, s2;
	p2 =	seq.s32 @!p0 s5, $0x0  }
0x1f: {  	s9 =	smul.u32 $0xF7A, s1;
	s8 =	simm.s32 @!p0 $0x1BF5;
	p2 =	por !p2, p0  }
0x20: {  	[sflag:s8] =	ssyncset.s32 @!p0 $0xFFFFF086;
	s6 =	sadd.s32 @!p0 s3, s7;
	s7 =	simm.s32 @!p0 $0x108  }
0x21: {  	s3 =	sadd.s32 s3, s9;
	s6 =	sadd.s32 @!p0 $0x88, s6;
	s7 =	simm.s32 @p2 $0x1082  }
0x22: {  	[simem:s7], [sflag:s8] =	dma.local @!p0 [hbm:s6], $0xF7A  }
0x23: {  	s9 =	sor.u32 $0xD0000000, s2;
	s6 =	simm.s32 $0x108;
	_ =	swait.ge @!p0 [sflag:s8], $0x0  }
0x24: {  	s3 =	sadd.s32 $0x88, s3;
	s6 =	simm.s32 @!p1 $0x1082;
	[sflag:s4] =	ssyncset.s32 $0xFFFFF086  }
0x25: {  	[simem:s6], [sflag:s4] =	dma.local [hbm:s3], $0xF7A  }
0x26: {  	[smem:$0x3F91] =	sst s1;
	(tag) =	ssettag s2;
	_ =	strace s9  }
0x27: {  	s1 =	sld [smem:$0x3FA1]  }
0x28: {  	s2 =	sld [smem:$0x3FA2]  }
0x29: {  	s4 =	sld [smem:$0x3FA4]  }
0x2a: {  	p0 =	seq.s32 s5, $0x0;
	s5 =	sld [smem:$0x3FA5]  }
0x2b: {  	s6 =	sld [smem:$0x3FA6]  }
0x2c: {  	s7 =	sld [smem:$0x3FA7]  }
0x2d: {  	s3 =	simm.s32 $0x108;
	s8 =	sld [smem:$0x3FA8]  }
0x2e: {  	s3 =	simm.s32 @!p0 $0x1082;
	s9 =	sld [smem:$0x3FA9]  }
0x2f: {  	lr =	sadd.s32 s0, s3;
	s0 =	sld [smem:$0x3FA0]  }
0x30: {  	s3 =	sld [smem:$0x3FA3]  }
0x31: {  	[smem:$0x3FAC] =	sst s10  }
0x32: {  	s10 =	sld [smem:$0x3FAA];
	_ =	sdelay $0x3  }
0x33: {  	p0 =	seq.s32 s10, $0x1;
	s10 =	sld [smem:$0x3FAC];
	_ =	sdelay $0x3  }
0x34: {  	[smem:$0x3FAC] =	sst s10  }
0x35: {  	s10 =	sld [smem:$0x3FAB];
	_ =	sdelay $0x3  }
0x36: {  	p1 =	seq.s32 s10, $0x1;
	s10 =	sld [smem:$0x3FAC];
	_ =	sdelay $0x3  }
0x37: {  	[smem:$0x3FAC] =	sst s10  }
0x38: {  	s10 =	sld [smem:$0x3FAD]  }
0x39: {  	_ = 	snop;
	(pc) =	sbr.ind lr, $3  }
0x3a: {  	_ = 	snop  }
0x3b: {  	_ = 	snop  }
0x3c: {  	p2 =	seq.s32 s10, $0x1;
	s10 =	sld [smem:$0x3FAC]  }
0x3d: {  	_ =	shalt  }
0x3e: {  	_ =	shalt  }
0x3f: {  	_ =	shalt  }
0x40: {  	_ =	shalt  }
0x41: {  	_ =	shalt  }
0x42: {  	_ =	shalt  }
0x43: {  	_ =	shalt  }
0x44: {  	_ =	shalt  }
0x45: {  	_ =	shalt  }
0x46: {  	_ =	shalt  }
0x47: {  	_ =	shalt  }
0x48: {  	_ =	shalt  }
0x49: {  	_ =	shalt  }
0x4a: {  	_ =	shalt  }
0x4b: {  	_ =	shalt  }
0x4c: {  	_ =	shalt  }
0x4d: {  	_ =	shalt  }
0x4e: {  	_ =	shalt  }
0x4f: {  	_ =	shalt  }
0x50: {  	_ =	shalt  }
0x51: {  	_ =	shalt  }
0x52: {  	_ =	shalt  }
0x53: {  	_ =	shalt  }
0x54: {  	_ =	shalt  }
0x55: {  	_ =	shalt  }
0x56: {  	_ =	shalt  }
0x57: {  	_ =	shalt  }
0x58: {  	_ =	shalt  }
0x59: {  	_ =	shalt  }
0x5a: {  	_ =	shalt  }
0x5b: {  	_ =	shalt  }
0x5c: {  	_ =	shalt  }
0x5d: {  	_ =	shalt  }
0x5e: {  	_ =	shalt  }
0x5f: {  	_ =	shalt  }
0x60: {  	_ =	shalt  }
0x61: {  	_ =	shalt  }
0x62: {  	_ =	shalt  }
0x63: {  	_ =	shalt  }
0x64: {  	_ =	shalt  }
0x65: {  	_ =	shalt  }
0x66: {  	_ =	shalt  }
0x67: {  	_ =	shalt  }
0x68: {  	_ =	shalt  }
0x69: {  	_ =	shalt  }
0x6a: {  	_ =	shalt  }
0x6b: {  	_ =	shalt  }
0x6c: {  	_ =	shalt  }
0x6d: {  	_ =	shalt  }
0x6e: {  	_ =	shalt  }
0x6f: {  	_ =	shalt  }
0x70: {  	_ =	shalt  }
0x71: {  	_ =	shalt  }
0x72: {  	_ =	shalt  }
0x73: {  	_ =	shalt  }
0x74: {  	_ =	shalt  }
0x75: {  	_ =	shalt  }
0x76: {  	_ =	shalt  }
0x77: {  	_ =	shalt  }
0x78: {  	_ =	shalt  }
0x79: {  	_ =	shalt  }
0x7a: {  	_ =	shalt  }
0x7b: {  	_ =	shalt  }
0x7c: {  	_ =	shalt  }
0x7d: {  	_ =	shalt  }
0x7e: {  	_ =	shalt  }
0x7f: {  	_ =	shalt  }
0x80: {  	_ =	shalt  }
0x81: {  	_ =	shalt  }
0x82: {  	_ =	shalt  }
0x83: {  	_ =	shalt  }
0x84: {  	_ =	shalt  }
0x85: {  	_ =	shalt  }
0x86: {  	_ =	shalt  }
0x87: {  	_ =	shalt  }
.Lfunc_end0:
.L_simem_size_0:
called_computation.1_lowered:
.L_overlay_start_0:
0x88: {  	s2 =	sld [smem:$0x3FD9]  }
0x89: {  	s3 =	sld [smem:$0x3FFE];
	_ =	sdelay $0x1  }
0x8a: {  	s1 =	srdreg.scid  }
0x8b: {  	s0 =	sand.u32 $0x1, s1  }
0x8c: {  	s14 =	sshll.u32 s0, $0xA;
	s2 =	sadd.s32 s3, s2  }
0x8d: {  	s2 =	sadd.s32 s2, s14  }
0x8e: {  	[smem:$0x3FB8] =	sst s2  }
0x8f: {  	_ = 	snop  }
0x90: {  	s2 =	sld [smem:$0x3FD0];
	_ =	sdelay $0x2  }
0x91: {  	s15 =	simm.s32 $0xA;
	s4 =	simm.s32 $0x10  }
0x92: {  	[smem:s4], [sflag:s15] =	dma.local [hbm:s2], $0x1  }
0x93: {  	_ =	swait.eq [sflag:s15], $0x1  }
0x94: {  	[sflag:s15] =	ssyncset.done $0x0  }
0x95: {  	[sflag:s15] =	ssyncadd.s32 $0xFFFFFFFF  }
0x96: {  	s16 =	sld [smem:$0x10];
	(tm) =	ssettm $0x1  }
0x97: {  	s17 =	sld [smem:$0x3FFB];
	_ =	sdelay $0x3  }
0x98: {  	_ =	strace s17  }
0x99: {  	s3 =	sld [smem:$0x3FFC];
	_ =	sdelay $0x3  }
0x9a: {  	_ =	strace s3  }
0x9b: {  	s3 =	sld [smem:$0x3FFD];
	_ =	sdelay $0x3  }
0x9c: {  	_ =	strace s3  }
0x9d: {  	_ =	strace $0x8FFFFFFF  }
0x9e: {  	s18 =	sld [smem:$0x3FDB];
	_ =	sdelay $0x1  }
0x9f: {  	s19 =	simm.s32 $_scs_section_size  }
0xa0: {  	s5 =	simm.s32 $_size__tile_overlayer_lowered;
	s6 =	simm.s32 $_tile_overlayer_lowered  }
0xa1: {  	s22 =	simm.s32 $0x1BFF;
	s21 =	sshll.u32 s6, $0x1;
	s3 =	sadd.s32 s19, s18  }
0xa2: {  	s7 =	simm.s32 $0x0;
	s20 =	sshll.u32 s5, $0x1;
	s5 =	sadd.s32 s21, s3  }
0xa3: {  	[timem:s7], [sflag:s22] =	dma.local [hbm:s5], s20  }
0xa4: {  	_ =	swait.ge [sflag:s22], s20  }
0xa5: {  	s4 =	ssub.s32 $0x0, s20;
	[sflag:s22] =	ssyncset.done $0x0  }
0xa6: {  	[sflag:s22] =	ssyncadd.s32 s4;
	_ =	sdelay $0x1  }
0xa7: {  	s23 =	simm.s32 $0x1B8B  }
0xa8: {  	_ =	swait.ge [sflag:s23], $0x1  }
0xa9: {  	[sflag:s23] =	ssyncset.done $0x0  }
0xaa: {  	s25 =	simm.s32 $0x1B8E;
	s24 =	sld [smem:$0x3FFE];
	[sflag:s23] =	ssyncadd.s32 $0xFFFFFFFF  }
0xab: {  	s26 =	simm.s32 $execute0_lowered;
	[smem:$0x3FD2] =	sst s25  }
0xac: {  	s5 =	sshll.u32 s26, $0x1;
	_ =	strace $0x80000049;
	[dreg:$0x1] =	wrdreg $0xFFFFFFFF  }
0xad: {  	s28 =	simm.s32 $_size_execute0_lowered;
	s3 =	sadd.s32 s3, s5;
	[dreg:$0x0] =	wrdreg $0x0  }
0xae: {  	s5 =	sshll.u32 s28, $0x1;
	[dreg:$0x2] =	wrdreg s3  }
0xaf: {  	[dreg:$0x3] =	wrdreg s5  }
0xb0: {  	[dreg:$0x4] =	wrdreg $0xC0  }
0xb1: {  	_ =	task [dreg:s7], $0x5FFFF  }
0xb2: {  	[dreg:$0x1] =	wrdreg $0xFFFFFFFF  }
0xb3: {  	[dreg:$0x0] =	wrdreg $0x60  }
0xb4: {  	[dreg:$0x2] =	wrdreg s16  }
0xb5: {  	[dreg:$0x3] =	wrdreg s24  }
0xb6: {  	[dreg:$0x4] =	wrdreg $0x9  }
0xb7: {  	_ =	task.clear_ibuf [dreg:s7], $0x5FFFF;
	_ =	strace $0x90000049  }
0xb8: {  	s29 =	simm.s32 $0x9;
	_ =	strace $0x8000004B  }
0xb9: {  	_ =	swait.ge [sflag:s29], $0x1  }
0xba: {  	[sflag:s29] =	ssyncadd.s32 $0xFFFFFFFF  }
0xbb: {  	_ =	strace $0x9000004B  }
0xbc: {  	_ =	sfence  }
0xbd: {  	s30 =	sld [smem:$0x0];
	_ =	sdelay $0x2  }
0xbe: {  	s31 =	sshll.u32 s1, $0xD;
	s1 =	sshrl.u32 s1, $0x2  }
0xbf: {  	s3 =	sand.u32 $0x4000, s31;
	s1 =	sadd.s32 s1, s30  }
0xc0: {  	s0 =	sor.u32 s3, s0;
	s1 =	sshll.u32 s1, $0x11  }
0xc1: {  	s0 =	sor.u32 s1, s0  }
0xc2: {  	s0 =	sadd.s32 $0x8F2B, s0  }
0xc3: {  	[sflag:s0] =	ssyncadd.remote.s32 $0x1  }
0xc4: {  	_ =	sfence.sel $0xFFFF  }
0xc5: {  	[dreg:$0x0] =	wrdreg $0xFFFFFFFF;
	(pc) =	sbr.abs _section_cstart, $3  }
0xc6: {  	[dreg:$0x1] =	wrdreg $0xFFFFFFFF  }
0xc7: {  	_ =	task.clear_ibuf [dreg:s7], $0x2FFFF;
	_ =	strace $0x9FFFFFFF  }
0xc8: {  	(tm) =	ssettm $0x7FFFFFFF  }
0xc9: {  	_ =	shalt  }
tec
execute0_lowered:
.L_overlay_start_1:
0x0: {  	(tag) =	ssettag $0x1  }
0x1: {  	s2 =	rddreg [dreg:$0x0]  }
0x2: {  	s4 =	rddreg [dreg:$0x1];
	s1 =	stileid.u32  }
0x3: {  	s0 =	rddreg [dreg:$0x2];
	s3 =	srdreg.scid  }
0x4: {  	s13 =	simm.s32 $0x7780;
	s14 =	simm.s32 $0xC580;
	s15 =	simm.s32 $0x0  }
0x5: {  	s5 =	sshll.u32 s1, $0x1;
	s6 =	sand.u32 $0x1, s3;
	s7 =	sshrl.u32 s1, $0x3  }
0x6: {  	s3 =	simm.s32 $0x0;
	s10 =	sadd.s32 $0x2800, s4;
	s11 =	sadd.s32 $0x16200, s4  }
0x7: {  	s5 =	sand.u32 $0xE, s5;
	s26 =	smul.u32 $0x4E200, s7;
	[smem:$0x7FF] =	sst s3  }
0x8: {  	s28 =	ssub.s32 $0x2, s6;
	s31 =	sshll.u32 s7, $0x7;
	s9 =	sor.u32 s6, s5  }
0x9: {  	s7 =	sshll.u32 s7, $0x4;
	_ =	strace $0x8000004A;
	s8 =	smul.u32 $0x4E00, s9  }
0xa: {  	s30 =	sshrl.u32 s28, $0x1;
	s7 =	sadd.s32 s7, s11;
	s12 =	smul.u32 $0x9C00, s9  }
0xb: {  	s5 =	sshrl.u32 s26, $0x3;
	s7 =	sadd.s32 $0x13800, s7;
	p0 =	sne.s32 s9, $0xF  }
.Ltmp0:
0xc: {  	s9 =	simm.s32 $0x1;
	s29 =	sadd.s32 s26, s8;
	(pc) =	sbr.rel .LBB2_1-.Ltmp0, $4  }
0xd: {  	s5 =	sadd.s32 s10, s5;
	s8 =	ssub.s32 s28, s30;
	s6 =	sshrl.u32 s29, $0x3  }
0xe: {  	s5 =	sadd.s32 $0x9C00, s5;
	s4 =	sadd.s32 s10, s6;
	s6 =	sor.u32 s31, s12  }
0xf: {  	s8 =	smax.u32 s8, $0x1;
	s10 =	simm.s32 $0x2780;
	s6 =	sshrl.u32 s6, $0x3  }
0x10: {  	s12 =	simm.s32 $0x100;
	s6 =	sadd.s32 s11, s6;
	s11 =	simm.s32 $0x80  }
.LBB2_5:
0x11: {  	[hbm4b:s6+s11] =	stream.strided.scatter [tilespmem:s13], [sflag:$0x1], $0x4E00, s12, s11, $0x38;
	[tilespmem:$0xC780] =	vst v63  }
0x12: {  	_ =	swait.ge [sflag:s9], $0x4E00  }
0x13: {  	[sflag:s9] =	ssyncset.done $0x0  }
0x14: {  	[sflag:s9] =	ssyncadd.s32 $0xFFFFB200  }
.LBB2_6:
0x15: {  	s15 =	sadd.s32 $0x1, s15  }
0x16: {  	p1 =	sne.s32 s15, s8  }
.Ltmp1:
0x17: {  	_ = 	snop;
	(pc) =	sbr.rel @!p1 .LBB2_7-.Ltmp1, $1  }
0x18: {  	_ =	sdelay $0x3  }
.LBB2_1:
0x19: {  	[tilespmem:s3], [sflag:$0x1] =	stream.linear.gather [hbm4b:s2+s3], $0x2780, $0x38;
	[tilespmem:$0xC780] =	vst v63  }
0x1a: {  	_ =	swait.ge [sflag:s9], $0x2780  }
0x1b: {  	[sflag:s9] =	ssyncset.done $0x0  }
0x1c: {  	[sflag:s9] =	ssyncadd.s32 $0xFFFFD880  }
0x1d: {  	[tilespmem:s10], [sflag:$0x1] =	stream.linear.gather [hbm4b:s4+s3], $0x4E00, $0x38;
	[tilespmem:$0xC780] =	vst v63  }
0x1e: {  	_ =	swait.ge [sflag:s9], $0x4E00  }
0x1f: {  	[sflag:s9] =	ssyncset.done $0x0  }
0x20: {  	s16 =	simm.s32 @!p0 $0x0;
	s17 =	simm.s32 @!p0 $0x7580;
	[sflag:s9] =	ssyncadd.s32 $0xFFFFB200  }
0x21: {  	[tilespmem:s17], [sflag:$0x1] =	stream.linear.gather @!p0 [hbm4b:s5+s16], $0x200, $0x38;
	[tilespmem:$0xC780] =	vst v63  }
0x22: {  	s16 =	simm.s32 @!p0 $0x1  }
0x23: {  	_ =	swait.ge @!p0 [sflag:s16], $0x200  }
0x24: {  	[sflag:s16] =	ssyncset.done @!p0 $0x0  }
0x25: {  	[sflag:s16] =	ssyncadd.s32 @!p0 $0xFFFFFE00;
	s16 =	simm.s32 $0x0  }
0x26: {  	v0 =	vld [tilespmem:s16+$0x2780];
	_ =	sdelay $0x5  }
0x27: {  	v1 =	vld [tilespmem:s16+$0x2790];
	_ =	sdelay $0x1  }
0x28: {  	v0 =	vld.idx.msk [tilespmem:v0+s3+$0x0], $0xffff;
	_ =	sdelay $0x4  }
0x29: {  	[tilespmem:s16+$0x7780] =	vst v0;
	v0 =	vld [tilespmem:s16+$0x27A0]  }
0x2a: {  	v1 =	vld.idx.msk [tilespmem:v1+s3+$0x0], $0xffff;
	_ =	sdelay $0x4  }
0x2b: {  	[tilespmem:s16+$0x7790] =	vst v1;
	v1 =	vld [tilespmem:s16+$0x27B0];
	_ =	sdelay $0x1  }
0x2c: {  	v0 =	vld.idx.msk [tilespmem:v0+s3+$0x0], $0xffff;
	_ =	sdelay $0x4  }
0x2d: {  	[tilespmem:s16+$0x77A0] =	vst v0;
	v0 =	vld [tilespmem:s16+$0x27C0]  }
0x2e: {  	v1 =	vld.idx.msk [tilespmem:v1+s3+$0x0], $0xffff;
	_ =	sdelay $0x4  }
0x2f: {  	[tilespmem:s16+$0x77B0] =	vst v1;
	v1 =	vld [tilespmem:s16+$0x27D0];
	_ =	sdelay $0x1  }
0x30: {  	v0 =	vld.idx.msk [tilespmem:v0+s3+$0x0], $0xffff;
	_ =	sdelay $0x4  }
0x31: {  	v2 =	vld [tilespmem:s16+$0x27E0];
	[tilespmem:s16+$0x77C0] =	vst v0  }
0x32: {  	v0 =	vld.idx.msk [tilespmem:v1+s3+$0x0], $0xffff;
	_ =	sdelay $0x4  }
0x33: {  	[tilespmem:s16+$0x77D0] =	vst v0;
	v0 =	vld [tilespmem:s16+$0x27F0];
	_ =	sdelay $0x1  }
0x34: {  	v1 =	vld.idx.msk [tilespmem:v2+s3+$0x0], $0xffff;
	_ =	sdelay $0x3  }
0x35: {  	s18 =	simm.s32 $0x80;
	s17 =	simm.s32 $0x400  }
.LBB2_2:
0x36: {  	p1 =	sne.s32 s17, $0x13600;
	v2 =	vld [tilespmem:s18+$0x2780];
	[tilespmem:s16+$0x77E0] =	vst v1  }
0x37: {  	v0 =	vld.idx.msk [tilespmem:v0+s3+$0x0], $0xffff;
	_ =	sdelay $0x5  }
0x38: {  	v1 =	vld [tilespmem:s18+$0x2790];
	[tilespmem:s16+$0x77F0] =	vst v0;
	s16 =	smov.u32 s18  }
0x39: {  	v0 =	vld.idx.msk [tilespmem:v2+s3+$0x0], $0xffff;
	_ =	sdelay $0x5  }
0x3a: {  	[tilespmem:s16+$0x7780] =	vst v0;
	v0 =	vld [tilespmem:s16+$0x27A0]  }
0x3b: {  	v1 =	vld.idx.msk [tilespmem:v1+s3+$0x0], $0xffff;
	_ =	sdelay $0x5  }
0x3c: {  	[tilespmem:s16+$0x7790] =	vst v1;
	v1 =	vld [tilespmem:s16+$0x27B0]  }
0x3d: {  	v0 =	vld.idx.msk [tilespmem:v0+s3+$0x0], $0xffff;
	_ =	sdelay $0x5  }
0x3e: {  	[tilespmem:s16+$0x77A0] =	vst v0;
	v0 =	vld [tilespmem:s16+$0x27C0]  }
0x3f: {  	v1 =	vld.idx.msk [tilespmem:v1+s3+$0x0], $0xffff;
	_ =	sdelay $0x5  }
0x40: {  	[tilespmem:s16+$0x77B0] =	vst v1;
	v1 =	vld [tilespmem:s16+$0x27D0]  }
0x41: {  	v0 =	vld.idx.msk [tilespmem:v0+s3+$0x0], $0xffff;
	_ =	sdelay $0x5  }
0x42: {  	[tilespmem:s16+$0x77C0] =	vst v0;
	v2 =	vld [tilespmem:s16+$0x27E0]  }
0x43: {  	v0 =	vld.idx.msk [tilespmem:v1+s3+$0x0], $0xffff;
	_ =	sdelay $0x5  }
0x44: {  	[tilespmem:s16+$0x77D0] =	vst v0;
	v0 =	vld [tilespmem:s16+$0x27F0]  }
0x45: {  	v1 =	vld.idx.msk [tilespmem:v2+s3+$0x0], $0xffff  }
.Ltmp2:
0x46: {  	(pc) =	sbr.rel @p1 .LBB2_2-.Ltmp2, $2  }
0x47: {  	_ =	sdelay $0x2  }
0x48: {  	s18 =	sshra.s32 s17, $0x2;
	s17 =	sadd.s32 $0x200, s17  }
0x49: {  	_ =	sdelay $0x1  }
0x4a: {  	v2 =	vld [tilespmem:s18+$0x2780]  }
0x4b: {  	[tilespmem:s16+$0x77E0] =	vst v1  }
0x4c: {  	v0 =	vld.idx.msk [tilespmem:v0+s3+$0x0], $0xffff;
	_ =	sdelay $0x3  }
0x4d: {  	v1 =	vld [tilespmem:s18+$0x2790]  }
0x4e: {  	[tilespmem:s16+$0x77F0] =	vst v0  }
0x4f: {  	v0 =	vld.idx.msk [tilespmem:v2+s3+$0x0], $0xffff;
	_ =	sdelay $0x3  }
0x50: {  	v58 =	vld [tilespmem:s18+$0x27A0]  }
0x51: {  	[tilespmem:s18+$0x7780] =	vst v0  }
0x52: {  	v1 =	vld.idx.msk [tilespmem:v1+s3+$0x0], $0xffff;
	_ =	sdelay $0x3  }
0x53: {  	v59 =	vld [tilespmem:s18+$0x27B0]  }
0x54: {  	[tilespmem:s18+$0x7790] =	vst v1  }
0x55: {  	v0 =	vld.idx.msk [tilespmem:v58+s3+$0x0], $0xffff;
	_ =	sdelay $0x3  }
0x56: {  	v60 =	vld [tilespmem:s18+$0x27C0]  }
0x57: {  	[tilespmem:s18+$0x77A0] =	vst v0  }
0x58: {  	v1 =	vld.idx.msk [tilespmem:v59+s3+$0x0], $0xffff;
	_ =	sdelay $0x3  }
0x59: {  	v61 =	vld [tilespmem:s18+$0x27D0]  }
0x5a: {  	[tilespmem:s18+$0x77B0] =	vst v1  }
0x5b: {  	v0 =	vld.idx.msk [tilespmem:v60+s3+$0x0], $0xffff;
	_ =	sdelay $0x3  }
0x5c: {  	v62 =	vld [tilespmem:s18+$0x27E0]  }
0x5d: {  	[tilespmem:s18+$0x77C0] =	vst v0  }
0x5e: {  	v1 =	vld.idx.msk [tilespmem:v61+s3+$0x0], $0xffff;
	_ =	sdelay $0x3  }
0x5f: {  	v63 =	vld [tilespmem:s18+$0x27F0]  }
0x60: {  	[tilespmem:s18+$0x77D0] =	vst v1  }
0x61: {  	v0 =	vld.idx.msk [tilespmem:v62+s3+$0x0], $0xffff;
	_ =	sdelay $0x4  }
0x62: {  	[tilespmem:s18+$0x77E0] =	vst v0  }
0x63: {  	v0 =	vld.idx.msk [tilespmem:v63+s3+$0x0], $0xffff  }
.Ltmp3:
0x64: {  	_ = 	snop;
	(pc) =	sbr.rel @p0 .LBB2_5-.Ltmp3, $2  }
0x65: {  	_ =	sdelay $0x2  }
0x66: {  	[tilespmem:s18+$0x77F0] =	vst v0  }
0x67: {  	v0 =	vld [tilespmem:$0x7580];
	_ =	sdelay $0x5  }
0x68: {  	v1 =	vld [tilespmem:$0x7590];
	_ =	sdelay $0x1  }
0x69: {  	v0 =	vld.idx.msk [tilespmem:v0+s3+$0x0], $0xffff;
	_ =	sdelay $0x3  }
0x6a: {  	v2 =	vld [tilespmem:$0x75A0]  }
0x6b: {  	[tilespmem:$0xC580] =	vst v0  }
0x6c: {  	v0 =	vld.idx.msk [tilespmem:v1+s3+$0x0], $0xffff;
	_ =	sdelay $0x3  }
0x6d: {  	v35 =	vld [tilespmem:$0x75B0]  }
0x6e: {  	[tilespmem:$0xC590] =	vst v0  }
0x6f: {  	v0 =	vld.idx.msk [tilespmem:v2+s3+$0x0], $0xffff;
	_ =	sdelay $0x3  }
0x70: {  	v36 =	vld [tilespmem:$0x75C0]  }
0x71: {  	[tilespmem:$0xC5A0] =	vst v0  }
0x72: {  	v0 =	vld.idx.msk [tilespmem:v35+s3+$0x0], $0xffff;
	_ =	sdelay $0x3  }
0x73: {  	v37 =	vld [tilespmem:$0x75D0]  }
0x74: {  	[tilespmem:$0xC5B0] =	vst v0  }
0x75: {  	v0 =	vld.idx.msk [tilespmem:v36+s3+$0x0], $0xffff;
	_ =	sdelay $0x3  }
0x76: {  	v38 =	vld [tilespmem:$0x75E0]  }
0x77: {  	[tilespmem:$0xC5C0] =	vst v0  }
0x78: {  	v0 =	vld.idx.msk [tilespmem:v37+s3+$0x0], $0xffff;
	_ =	sdelay $0x3  }
0x79: {  	v39 =	vld [tilespmem:$0x75F0]  }
0x7a: {  	[tilespmem:$0xC5D0] =	vst v0  }
0x7b: {  	v0 =	vld.idx.msk [tilespmem:v38+s3+$0x0], $0xffff;
	_ =	sdelay $0x3  }
0x7c: {  	v40 =	vld [tilespmem:$0x7600]  }
0x7d: {  	[tilespmem:$0xC5E0] =	vst v0  }
0x7e: {  	v0 =	vld.idx.msk [tilespmem:v39+s3+$0x0], $0xffff;
	_ =	sdelay $0x3  }
0x7f: {  	v41 =	vld [tilespmem:$0x7610]  }
0x80: {  	[tilespmem:$0xC5F0] =	vst v0  }
0x81: {  	v0 =	vld.idx.msk [tilespmem:v40+s3+$0x0], $0xffff;
	_ =	sdelay $0x3  }
0x82: {  	v42 =	vld [tilespmem:$0x7620]  }
0x83: {  	[tilespmem:$0xC600] =	vst v0  }
0x84: {  	v0 =	vld.idx.msk [tilespmem:v41+s3+$0x0], $0xffff;
	_ =	sdelay $0x3  }
0x85: {  	v43 =	vld [tilespmem:$0x7630]  }
0x86: {  	[tilespmem:$0xC610] =	vst v0  }
0x87: {  	v0 =	vld.idx.msk [tilespmem:v42+s3+$0x0], $0xffff;
	_ =	sdelay $0x3  }
0x88: {  	v44 =	vld [tilespmem:$0x7640]  }
0x89: {  	[tilespmem:$0xC620] =	vst v0  }
0x8a: {  	v0 =	vld.idx.msk [tilespmem:v43+s3+$0x0], $0xffff;
	_ =	sdelay $0x3  }
0x8b: {  	v45 =	vld [tilespmem:$0x7650]  }
0x8c: {  	[tilespmem:$0xC630] =	vst v0  }
0x8d: {  	v0 =	vld.idx.msk [tilespmem:v44+s3+$0x0], $0xffff;
	_ =	sdelay $0x3  }
0x8e: {  	v46 =	vld [tilespmem:$0x7660]  }
0x8f: {  	[tilespmem:$0xC640] =	vst v0  }
0x90: {  	v0 =	vld.idx.msk [tilespmem:v45+s3+$0x0], $0xffff;
	_ =	sdelay $0x3  }
0x91: {  	v47 =	vld [tilespmem:$0x7670]  }
0x92: {  	[tilespmem:$0xC650] =	vst v0  }
0x93: {  	v0 =	vld.idx.msk [tilespmem:v46+s3+$0x0], $0xffff;
	_ =	sdelay $0x3  }
0x94: {  	v48 =	vld [tilespmem:$0x7680]  }
0x95: {  	[tilespmem:$0xC660] =	vst v0  }
0x96: {  	v0 =	vld.idx.msk [tilespmem:v47+s3+$0x0], $0xffff;
	_ =	sdelay $0x3  }
0x97: {  	v49 =	vld [tilespmem:$0x7690]  }
0x98: {  	[tilespmem:$0xC670] =	vst v0  }
0x99: {  	v0 =	vld.idx.msk [tilespmem:v48+s3+$0x0], $0xffff;
	_ =	sdelay $0x3  }
0x9a: {  	v50 =	vld [tilespmem:$0x76A0]  }
0x9b: {  	[tilespmem:$0xC680] =	vst v0  }
0x9c: {  	v0 =	vld.idx.msk [tilespmem:v49+s3+$0x0], $0xffff;
	_ =	sdelay $0x3  }
0x9d: {  	v51 =	vld [tilespmem:$0x76B0]  }
0x9e: {  	[tilespmem:$0xC690] =	vst v0  }
0x9f: {  	v0 =	vld.idx.msk [tilespmem:v50+s3+$0x0], $0xffff;
	_ =	sdelay $0x3  }
0xa0: {  	v52 =	vld [tilespmem:$0x76C0]  }
0xa1: {  	[tilespmem:$0xC6A0] =	vst v0  }
0xa2: {  	v0 =	vld.idx.msk [tilespmem:v51+s3+$0x0], $0xffff;
	_ =	sdelay $0x3  }
0xa3: {  	v53 =	vld [tilespmem:$0x76D0]  }
0xa4: {  	[tilespmem:$0xC6B0] =	vst v0  }
0xa5: {  	v0 =	vld.idx.msk [tilespmem:v52+s3+$0x0], $0xffff;
	_ =	sdelay $0x3  }
0xa6: {  	v54 =	vld [tilespmem:$0x76E0]  }
0xa7: {  	[tilespmem:$0xC6C0] =	vst v0  }
0xa8: {  	v0 =	vld.idx.msk [tilespmem:v53+s3+$0x0], $0xffff;
	_ =	sdelay $0x3  }
0xa9: {  	v55 =	vld [tilespmem:$0x76F0]  }
0xaa: {  	[tilespmem:$0xC6D0] =	vst v0  }
0xab: {  	v0 =	vld.idx.msk [tilespmem:v54+s3+$0x0], $0xffff;
	_ =	sdelay $0x3  }
0xac: {  	v56 =	vld [tilespmem:$0x7700]  }
0xad: {  	[tilespmem:$0xC6E0] =	vst v0  }
0xae: {  	v0 =	vld.idx.msk [tilespmem:v55+s3+$0x0], $0xffff;
	_ =	sdelay $0x3  }
0xaf: {  	v57 =	vld [tilespmem:$0x7710]  }
0xb0: {  	[tilespmem:$0xC6F0] =	vst v0  }
0xb1: {  	v0 =	vld.idx.msk [tilespmem:v56+s3+$0x0], $0xffff;
	_ =	sdelay $0x3  }
0xb2: {  	v58 =	vld [tilespmem:$0x7720]  }
0xb3: {  	[tilespmem:$0xC700] =	vst v0  }
0xb4: {  	v0 =	vld.idx.msk [tilespmem:v57+s3+$0x0], $0xffff;
	_ =	sdelay $0x3  }
0xb5: {  	v59 =	vld [tilespmem:$0x7730]  }
0xb6: {  	[tilespmem:$0xC710] =	vst v0  }
0xb7: {  	v0 =	vld.idx.msk [tilespmem:v58+s3+$0x0], $0xffff;
	_ =	sdelay $0x3  }
0xb8: {  	v60 =	vld [tilespmem:$0x7740]  }
0xb9: {  	[tilespmem:$0xC720] =	vst v0  }
0xba: {  	v0 =	vld.idx.msk [tilespmem:v59+s3+$0x0], $0xffff;
	_ =	sdelay $0x3  }
0xbb: {  	v61 =	vld [tilespmem:$0x7750]  }
0xbc: {  	[tilespmem:$0xC730] =	vst v0  }
0xbd: {  	v0 =	vld.idx.msk [tilespmem:v60+s3+$0x0], $0xffff;
	_ =	sdelay $0x3  }
0xbe: {  	v62 =	vld [tilespmem:$0x7760]  }
0xbf: {  	[tilespmem:$0xC740] =	vst v0  }
0xc0: {  	v0 =	vld.idx.msk [tilespmem:v61+s3+$0x0], $0xffff;
	_ =	sdelay $0x3  }
0xc1: {  	v63 =	vld [tilespmem:$0x7770]  }
0xc2: {  	[tilespmem:$0xC750] =	vst v0  }
0xc3: {  	v0 =	vld.idx.msk [tilespmem:v62+s3+$0x0], $0xffff;
	_ =	sdelay $0x4  }
0xc4: {  	[tilespmem:$0xC760] =	vst v0  }
0xc5: {  	v0 =	vld.idx.msk [tilespmem:v63+s3+$0x0], $0xffff;
	_ =	sdelay $0x4  }
0xc6: {  	[tilespmem:$0xC770] =	vst v0  }
0xc7: {  	[hbm4b:s6+s11] =	stream.strided.scatter [tilespmem:s13], [sflag:$0x1], $0x4E00, s12, s11, $0x38;
	[tilespmem:$0xC780] =	vst v63  }
0xc8: {  	_ =	swait.ge [sflag:s9], $0x4E00  }
0xc9: {  	[sflag:s9] =	ssyncset.done $0x0  }
.Ltmp4:
0xca: {  	[sflag:s9] =	ssyncadd.s32 $0xFFFFB200;
	(pc) =	sbr.rel .LBB2_6-.Ltmp4, $4  }
0xcb: {  	[hbm4b:s7+s11] =	stream.strided.scatter [tilespmem:s14], [sflag:$0x1], $0x200, s12, s11, $0x38;
	[tilespmem:$0xC780] =	vst v63  }
0xcc: {  	_ =	swait.ge [sflag:s9], $0x200  }
0xcd: {  	[sflag:s9] =	ssyncset.done $0x0  }
0xce: {  	[sflag:s9] =	ssyncadd.s32 $0xFFFFFE00  }
.LBB2_7:
0xcf: {  	_ =	sfence.sel $0x180000  }
0xd0: {  	[bflag:$0x0] =	sbarrier.arrive $0xFFFF  }
0xd1: {  	p0 =	sne.s32 s1, $0x0;
	_ =	strace $0x9000004A  }
0xd2: {  	s0 =	sadd.s32 @!p0 $0x100000, s0;
	[bflag:$0x2] =	sbarrier.arrive $0xFFFF  }
0xd3: {  	[sflag:s0] =	ssyncadd.tile.s32 @!p0 $0x1;
	_ =	shalt  }
.Lfunc_end2:
_tile_overlayer_lowered:
.L_overlay_start_2:
0xd4: {  	(tag) =	ssettag $0x2  }
0xd5: {  	s0 =	rddreg [dreg:$0x0];
	s2 =	stileid.u32  }
0xd6: {  	s1 =	rddreg [dreg:$0x1];
	p0 =	sne.s32 s2, $0x0  }
0xd7: {  	s3 =	rddreg [dreg:$0x2];
	[bflag:$0x3] =	sbarrier.arrive $0xFFFF;
	s2 =	simm.s32 @!p0 $0x1C01  }
0xd8: {  	[timem:s3], [sflag:s2] =	dma.local @!p0 [hbm:s0], s1  }
0xd9: {  	s0 =	simm.s32 @!p0 $0x1  }
0xda: {  	_ =	swait.ge @!p0 [sflag:s0], s1  }
0xdb: {  	s1 =	ssub.s32 @!p0 $0x0, s1;
	[sflag:s0] =	ssyncset.done @!p0 $0x0  }
0xdc: {  	[sflag:s0] =	ssyncadd.s32 @!p0 s1  }
0xdd: {  	[bflag:$0x3] =	sbarrier.arrive $0xFFFF  }
0xde: {  	_ =	shalt  }

</sc_bundles>
